<compile_context>
chip_gen: v7x
topology: tpu7x:2x2x1
jax: 0.10.2.dev20260603
libtpu: 0.0.44.dev20260713+nightly
codegen_flags: <defaults>
</compile_context>

<pallas_src>
import functools
import jax
import jax.numpy as jnp
from jax import lax
from jax.experimental import pallas as pl
from jax.experimental.pallas import tpu as pltpu
from jax.experimental.pallas import tpu_sc as plsc


def kernel(job_done, machine_busy_until, truck_location, job_ops_adj, op_scheduled,
           proc_times, next_op, ops_ma_adj, truck_busy_until, action_mask):
    B, n_jobs = job_done.shape
    n_ops = proc_times.shape[2]
    NW = 32
    rows_per_w = B // NW

    mesh = plsc.VectorSubcoreMesh(core_axis_name="c", subcore_axis_name="s")

    @functools.partial(
        pl.kernel, mesh=mesh,
        compiler_params=pltpu.CompilerParams(use_tc_tiling_on_sc=True),
        out_type=jax.ShapeDtypeStruct((NW, 16), jnp.float32),
        scratch_types=[
            pltpu.VMEM((2, n_jobs, n_ops), jnp.float32),
            pltpu.VMEM((16,), jnp.float32),
            pltpu.SemaphoreType.DMA,
            pltpu.SemaphoreType.DMA,
        ],
    )
    def probe(jo_hbm, out_hbm, buf, accbuf, sem0, sem1):
        wid = lax.axis_index("s") * 2 + lax.axis_index("c")
        base = wid * rows_per_w
        sems = [sem0, sem1]
        h = pltpu.async_copy(jo_hbm.at[base], buf.at[0], sems[0])
        acc = jnp.zeros((16,), jnp.float32)
        for r in range(rows_per_w):
            p = r % 2
            if r + 1 < rows_per_w:
                hn = pltpu.async_copy(jo_hbm.at[base + r + 1], buf.at[(r + 1) % 2],
                                      sems[(r + 1) % 2])
            h.wait()
            acc = acc + buf[p, 0, pl.ds(0, 16)]
            if r + 1 < rows_per_w:
                h = hn
        accbuf[...] = acc
        pltpu.sync_copy(accbuf, out_hbm.at[wid])

    out = probe(job_ops_adj)
    return (out, action_mask)

# --- scband reference (transcript-rebuilt; emitter-appended) ---
"""Pipeline reference for scband-mwkr-50302656971207 (READ-ONLY COPY).

The authoritative reference and input builder live on the scoring server;
editing this copy changes nothing except your own understanding.
"""

import jax, jax.numpy as jnp
import numpy as np

B, N_JOBS, N_OPS, N_MAS, N_TRS = 1024, 50, 500, 10, 5


def setup_inputs(seed: int = 0) -> dict:
    key = jax.random.key(seed)
    ks = jax.random.split(key, 10)
    job_done = jax.random.randint(ks[0], (B, N_JOBS), 0, 2).astype(bool)
    machine_busy_until = jax.random.uniform(ks[1], (B, N_MAS), dtype=jnp.float32)
    truck_location = jax.random.normal(ks[2], (B, N_TRS), dtype=jnp.float32)
    job_ops_adj = jax.random.randint(ks[3], (B, N_JOBS, N_OPS), 0, 2).astype(jnp.float32)
    op_scheduled = jax.random.randint(ks[4], (B, N_OPS), 0, 2).astype(bool)
    proc_times = jax.random.uniform(ks[5], (B, N_MAS, N_OPS), dtype=jnp.float32)
    next_op = jax.random.randint(ks[6], (B, N_JOBS), 0, N_OPS).astype(jnp.int64)
    ops_ma_adj = jax.random.randint(ks[7], (B, N_MAS, N_OPS), 0, 2).astype(jnp.int32)
    truck_busy_until = jax.random.uniform(ks[8], (B, N_TRS), dtype=jnp.float32)
    action_mask = jax.random.randint(ks[9], (B, 1 + N_JOBS * N_MAS * N_TRS), 0, 2).astype(bool)
    return {
        'job_done': job_done,
        'machine_busy_until': machine_busy_until,
        'truck_location': truck_location,
        'job_ops_adj': job_ops_adj,
        'op_scheduled': op_scheduled,
        'proc_times': proc_times,
        'next_op': next_op,
        'ops_ma_adj': ops_ma_adj,
        'truck_busy_until': truck_busy_until,
        'action_mask': action_mask,
    }


def reference(job_done, machine_busy_until, truck_location, job_ops_adj, op_scheduled,
              proc_times, next_op, ops_ma_adj, truck_busy_until, action_mask):
    batch_size = job_done.shape[0]
    n_jobs = job_done.shape[1]
    n_mas = machine_busy_until.shape[1]
    n_trs = truck_location.shape[1]

    # min processing time per op across machines: [B, n_ops]
    min_proc_time = jnp.min(proc_times, axis=1)
    # remaining (unscheduled) ops per job: [B, n_jobs, n_ops]
    remaining_mask = job_ops_adj * (~op_scheduled)[:, None, :]
    remaining_work = jnp.sum(remaining_mask * min_proc_time[:, None, :], axis=-1)  # [B, n_jobs]
    remaining_work = jnp.where(job_done, -jnp.inf, remaining_work)
    selected_job = jnp.argmax(remaining_work, axis=-1)  # [B]

    batch_idx = jnp.arange(batch_size)
    op = next_op[batch_idx, selected_job]  # [B]
    proc_time = proc_times[batch_idx, :, op]  # [B, n_mas]
    valid_machines = ops_ma_adj[batch_idx, :, op]  # [B, n_mas]
    proc_time = jnp.where(valid_machines == 0, jnp.inf, proc_time)
    selected_machine = jnp.argmin(proc_time, axis=-1)  # [B]
    selected_truck = jnp.argmin(truck_busy_until, axis=-1)  # [B]

    action_idx = 1 + selected_job * n_mas * n_trs + selected_machine * n_trs + selected_truck
    logits = jnp.zeros((batch_size, 1 + n_jobs * n_mas * n_trs), dtype=jnp.float32)
    logits = logits.at[batch_idx, action_idx].set(1.0)
    return (logits, action_mask)

if __name__ == "__main__":
    import jax
    _d = setup_inputs()
    print(jax.jit(kernel)(*tuple(_d.values())))

</pallas_src>

<mosaic_0001>
#map = affine_map<(d0, d1) -> (0, 0, 0)>
#map1 = affine_map<(d0, d1) -> (0, 0)>
module attributes {stable_mosaic.version = 14 : i64} {
  func.func @probe(%arg0: i32, %arg1: i32, %arg2: memref<1024x50x500xf32, #tpu.memory_space<hbm>>, %arg3: memref<32x16xf32, #tpu.memory_space<hbm>>, %arg4: memref<2x50x500xf32, #tpu.memory_space<vmem>>, %arg5: memref<16xf32, #tpu.memory_space<vmem>>, %arg6: memref<!tpu.dma_semaphore, #tpu.memory_space<semaphore_mem>>, %arg7: memref<!tpu.dma_semaphore, #tpu.memory_space<semaphore_mem>>) attributes {dimension_semantics = [#tpu.dimension_semantics<core_parallel>, #tpu.dimension_semantics<subcore_parallel>], iteration_bounds = array<i64: 2, 16>, scalar_prefetch = 0 : i64, scratch_operands = 4 : i64, tpu.core_type = #tpu.core_type<sc_vector_subcore>, window_params = [{transform_indices = #map}, {transform_indices = #map1}]} {
    %mul3A = arith.constant 2 : i32
    %mul3A_0 = arith.muli %arg1, %mul3A : i32
    %add3A = arith.addi %mul3A_0, %arg0 : i32
    %mul3A_1 = arith.constant 32 : i32
    %mul3A_2 = arith.muli %add3A, %mul3A_1 : i32
    %dma_start3A = arith.constant 0 : i32
    %dma_start3A_3 = arith.constant 0 : i32
    %dma_start3A_4 = arith.constant 0 : i32
    %dma_start3A_5 = tpu.memref_slice %arg4[%dma_start3A, %dma_start3A_3, %dma_start3A_4] : memref<2x50x500xf32, #tpu.memory_space<vmem>> -> memref<1x50x500xf32, #tpu.memory_space<vmem>>
    %dma_start3A_6 = tpu.memref_squeeze %dma_start3A_5 : memref<1x50x500xf32, #tpu.memory_space<vmem>> -> memref<50x500xf32, #tpu.memory_space<vmem>>
    %dma_start3A_7 = arith.constant 0 : i32
    %dma_start3A_8 = arith.constant 0 : i32
    %dma_start3A_9 = tpu.memref_slice %arg2[%mul3A_2, %dma_start3A_7, %dma_start3A_8] : memref<1024x50x500xf32, #tpu.memory_space<hbm>> -> memref<1x50x500xf32, #tpu.memory_space<hbm>>
    %dma_start3A_10 = tpu.memref_squeeze %dma_start3A_9 : memref<1x50x500xf32, #tpu.memory_space<hbm>> -> memref<50x500xf32, #tpu.memory_space<hbm>>
    %dma_start3A_11 = arith.constant 0 : i32
    %dma_start3A_12 = arith.constant 0 : i32
    %dma_start3A_13 = tpu.memref_slice %arg4[%dma_start3A, %dma_start3A_11, %dma_start3A_12] : memref<2x50x500xf32, #tpu.memory_space<vmem>> -> memref<1x50x500xf32, #tpu.memory_space<vmem>>
    %dma_start3A_14 = tpu.memref_squeeze %dma_start3A_13 : memref<1x50x500xf32, #tpu.memory_space<vmem>> -> memref<50x500xf32, #tpu.memory_space<vmem>>
    %dma_start3A_15 = arith.constant 0 : i32
    %dma_start3A_16 = arith.constant 0 : i32
    %dma_start3A_17 = tpu.memref_slice %arg2[%mul3A_2, %dma_start3A_15, %dma_start3A_16] : memref<1024x50x500xf32, #tpu.memory_space<hbm>> -> memref<1x50x500xf32, #tpu.memory_space<hbm>>
    %dma_start3A_18 = tpu.memref_squeeze %dma_start3A_17 : memref<1x50x500xf32, #tpu.memory_space<hbm>> -> memref<50x500xf32, #tpu.memory_space<hbm>>
    tpu.enqueue_dma source(%dma_start3A_18 : memref<50x500xf32, #tpu.memory_space<hbm>>) target(%dma_start3A_14 : memref<50x500xf32, #tpu.memory_space<vmem>>) target_semaphore(%arg6 : memref<!tpu.dma_semaphore, #tpu.memory_space<semaphore_mem>>)
    %broadcast_in_dim3A = arith.constant 0.000000e+00 : f32
    %broadcast_in_dim3A_19 = vector.broadcast %broadcast_in_dim3A : f32 to vector<16xf32>
    %add3A_20 = arith.constant 0 : i32
    %add3A_21 = arith.addi %mul3A_2, %add3A_20 : i32
    %add3A_22 = arith.constant 1 : i32
    %add3A_23 = arith.addi %add3A_21, %add3A_22 : i32
    %dma_start3A_24 = arith.constant 1 : i32
    %dma_start3A_25 = arith.constant 0 : i32
    %dma_start3A_26 = arith.constant 0 : i32
    %dma_start3A_27 = tpu.memref_slice %arg4[%dma_start3A_24, %dma_start3A_25, %dma_start3A_26] : memref<2x50x500xf32, #tpu.memory_space<vmem>> -> memref<1x50x500xf32, #tpu.memory_space<vmem>>
    %dma_start3A_28 = tpu.memref_squeeze %dma_start3A_27 : memref<1x50x500xf32, #tpu.memory_space<vmem>> -> memref<50x500xf32, #tpu.memory_space<vmem>>
    %dma_start3A_29 = arith.constant 0 : i32
    %dma_start3A_30 = arith.constant 0 : i32
    %dma_start3A_31 = tpu.memref_slice %arg2[%add3A_23, %dma_start3A_29, %dma_start3A_30] : memref<1024x50x500xf32, #tpu.memory_space<hbm>> -> memref<1x50x500xf32, #tpu.memory_space<hbm>>
    %dma_start3A_32 = tpu.memref_squeeze %dma_start3A_31 : memref<1x50x500xf32, #tpu.memory_space<hbm>> -> memref<50x500xf32, #tpu.memory_space<hbm>>
    %dma_start3A_33 = arith.constant 0 : i32
    %dma_start3A_34 = arith.constant 0 : i32
    %dma_start3A_35 = tpu.memref_slice %arg4[%dma_start3A_24, %dma_start3A_33, %dma_start3A_34] : memref<2x50x500xf32, #tpu.memory_space<vmem>> -> memref<1x50x500xf32, #tpu.memory_space<vmem>>
    %dma_start3A_36 = tpu.memref_squeeze %dma_start3A_35 : memref<1x50x500xf32, #tpu.memory_space<vmem>> -> memref<50x500xf32, #tpu.memory_space<vmem>>
    %dma_start3A_37 = arith.constant 0 : i32
    %dma_start3A_38 = arith.constant 0 : i32
    %dma_start3A_39 = tpu.memref_slice %arg2[%add3A_23, %dma_start3A_37, %dma_start3A_38] : memref<1024x50x500xf32, #tpu.memory_space<hbm>> -> memref<1x50x500xf32, #tpu.memory_space<hbm>>
    %dma_start3A_40 = tpu.memref_squeeze %dma_start3A_39 : memref<1x50x500xf32, #tpu.memory_space<hbm>> -> memref<50x500xf32, #tpu.memory_space<hbm>>
    tpu.enqueue_dma source(%dma_start3A_40 : memref<50x500xf32, #tpu.memory_space<hbm>>) target(%dma_start3A_36 : memref<50x500xf32, #tpu.memory_space<vmem>>) target_semaphore(%arg7 : memref<!tpu.dma_semaphore, #tpu.memory_space<semaphore_mem>>)
    %dma_wait3A = arith.constant 0 : i32
    %dma_wait3A_41 = arith.constant 0 : i32
    %dma_wait3A_42 = arith.constant 0 : i32
    %dma_wait3A_43 = tpu.memref_slice %arg4[%dma_wait3A, %dma_wait3A_41, %dma_wait3A_42] : memref<2x50x500xf32, #tpu.memory_space<vmem>> -> memref<1x50x500xf32, #tpu.memory_space<vmem>>
    %dma_wait3A_44 = tpu.memref_squeeze %dma_wait3A_43 : memref<1x50x500xf32, #tpu.memory_space<vmem>> -> memref<50x500xf32, #tpu.memory_space<vmem>>
    %dma_wait3A_45 = arith.constant 0 : i32
    %dma_wait3A_46 = arith.constant 0 : i32
    %dma_wait3A_47 = tpu.memref_slice %arg2[%mul3A_2, %dma_wait3A_45, %dma_wait3A_46] : memref<1024x50x500xf32, #tpu.memory_space<hbm>> -> memref<1x50x500xf32, #tpu.memory_space<hbm>>
    %dma_wait3A_48 = tpu.memref_squeeze %dma_wait3A_47 : memref<1x50x500xf32, #tpu.memory_space<hbm>> -> memref<50x500xf32, #tpu.memory_space<hbm>>
    %dma_wait3A_49 = arith.constant 0 : i32
    %dma_wait3A_50 = arith.constant 0 : i32
    %dma_wait3A_51 = tpu.memref_slice %arg4[%dma_wait3A, %dma_wait3A_49, %dma_wait3A_50] : memref<2x50x500xf32, #tpu.memory_space<vmem>> -> memref<1x50x500xf32, #tpu.memory_space<vmem>>
    %dma_wait3A_52 = tpu.memref_squeeze %dma_wait3A_51 : memref<1x50x500xf32, #tpu.memory_space<vmem>> -> memref<50x500xf32, #tpu.memory_space<vmem>>
    %dma_wait3A_53 = arith.constant 0 : i32
    %dma_wait3A_54 = arith.constant 0 : i32
    %dma_wait3A_55 = tpu.memref_slice %arg2[%mul3A_2, %dma_wait3A_53, %dma_wait3A_54] : memref<1024x50x500xf32, #tpu.memory_space<hbm>> -> memref<1x50x500xf32, #tpu.memory_space<hbm>>
    %dma_wait3A_56 = tpu.memref_squeeze %dma_wait3A_55 : memref<1x50x500xf32, #tpu.memory_space<hbm>> -> memref<50x500xf32, #tpu.memory_space<hbm>>
    tpu.wait_dma2 semaphore(%arg6 : memref<!tpu.dma_semaphore, #tpu.memory_space<semaphore_mem>>) src(%dma_wait3A_56 : memref<50x500xf32, #tpu.memory_space<hbm>>) dst(%dma_wait3A_52 : memref<50x500xf32, #tpu.memory_space<vmem>>)
    %get3A = arith.constant 0 : i32
    %get3A_57 = arith.constant 0 : i32
    %get3A_58 = arith.index_cast %get3A : i32 to index
    %get3A_59 = arith.index_cast %get3A_57 : i32 to index
    %get3A_60 = arith.constant 0 : index
    %get3A_61 = tpu.vector_load %arg4[%get3A_58, %get3A_59, %get3A_60] {strides = array<i32>} : memref<2x50x500xf32, #tpu.memory_space<vmem>>, vector<1x1x16xf32>,
    %get3A_62 = vector.shape_cast %get3A_61 : vector<1x1x16xf32> to vector<16xf32>
    %add3A_63 = arith.addf %broadcast_in_dim3A_19, %get3A_62 : vector<16xf32>
    %add3A_64 = arith.constant 1 : i32
    %add3A_65 = arith.addi %mul3A_2, %add3A_64 : i32
    %add3A_66 = arith.constant 1 : i32
    %add3A_67 = arith.addi %add3A_65, %add3A_66 : i32
    %dma_start3A_68 = arith.constant 0 : i32
    %dma_start3A_69 = arith.constant 0 : i32
    %dma_start3A_70 = arith.constant 0 : i32
    %dma_start3A_71 = tpu.memref_slice %arg4[%dma_start3A_68, %dma_start3A_69, %dma_start3A_70] : memref<2x50x500xf32, #tpu.memory_space<vmem>> -> memref<1x50x500xf32, #tpu.memory_space<vmem>>
    %dma_start3A_72 = tpu.memref_squeeze %dma_start3A_71 : memref<1x50x500xf32, #tpu.memory_space<vmem>> -> memref<50x500xf32, #tpu.memory_space<vmem>>
    %dma_start3A_73 = arith.constant 0 : i32
    %dma_start3A_74 = arith.constant 0 : i32
    %dma_start3A_75 = tpu.memref_slice %arg2[%add3A_67, %dma_start3A_73, %dma_start3A_74] : memref<1024x50x500xf32, #tpu.memory_space<hbm>> -> memref<1x50x500xf32, #tpu.memory_space<hbm>>
    %dma_start3A_76 = tpu.memref_squeeze %dma_start3A_75 : memref<1x50x500xf32, #tpu.memory_space<hbm>> -> memref<50x500xf32, #tpu.memory_space<hbm>>
    %dma_start3A_77 = arith.constant 0 : i32
    %dma_start3A_78 = arith.constant 0 : i32
    %dma_start3A_79 = tpu.memref_slice %arg4[%dma_start3A_68, %dma_start3A_77, %dma_start3A_78] : memref<2x50x500xf32, #tpu.memory_space<vmem>> -> memref<1x50x500xf32, #tpu.memory_space<vmem>>
    %dma_start3A_80 = tpu.memref_squeeze %dma_start3A_79 : memref<1x50x500xf32, #tpu.memory_space<vmem>> -> memref<50x500xf32, #tpu.memory_space<vmem>>
    %dma_start3A_81 = arith.constant 0 : i32
    %dma_start3A_82 = arith.constant 0 : i32
    %dma_start3A_83 = tpu.memref_slice %arg2[%add3A_67, %dma_start3A_81, %dma_start3A_82] : memref<1024x50x500xf32, #tpu.memory_space<hbm>> -> memref<1x50x500xf32, #tpu.memory_space<hbm>>
    %dma_start3A_84 = tpu.memref_squeeze %dma_start3A_83 : memref<1x50x500xf32, #tpu.memory_space<hbm>> -> memref<50x500xf32, #tpu.memory_space<hbm>>
    tpu.enqueue_dma source(%dma_start3A_84 : memref<50x500xf32, #tpu.memory_space<hbm>>) target(%dma_start3A_80 : memref<50x500xf32, #tpu.memory_space<vmem>>) target_semaphore(%arg6 : memref<!tpu.dma_semaphore, #tpu.memory_space<semaphore_mem>>)
    %dma_wait3A_85 = arith.constant 1 : i32
    %dma_wait3A_86 = arith.constant 0 : i32
    %dma_wait3A_87 = arith.constant 0 : i32
    %dma_wait3A_88 = tpu.memref_slice %arg4[%dma_wait3A_85, %dma_wait3A_86, %dma_wait3A_87] : memref<2x50x500xf32, #tpu.memory_space<vmem>> -> memref<1x50x500xf32, #tpu.memory_space<vmem>>
    %dma_wait3A_89 = tpu.memref_squeeze %dma_wait3A_88 : memref<1x50x500xf32, #tpu.memory_space<vmem>> -> memref<50x500xf32, #tpu.memory_space<vmem>>
    %dma_wait3A_90 = arith.constant 0 : i32
    %dma_wait3A_91 = arith.constant 0 : i32
    %dma_wait3A_92 = tpu.memref_slice %arg2[%add3A_23, %dma_wait3A_90, %dma_wait3A_91] : memref<1024x50x500xf32, #tpu.memory_space<hbm>> -> memref<1x50x500xf32, #tpu.memory_space<hbm>>
    %dma_wait3A_93 = tpu.memref_squeeze %dma_wait3A_92 : memref<1x50x500xf32, #tpu.memory_space<hbm>> -> memref<50x500xf32, #tpu.memory_space<hbm>>
    %dma_wait3A_94 = arith.constant 0 : i32
    %dma_wait3A_95 = arith.constant 0 : i32
    %dma_wait3A_96 = tpu.memref_slice %arg4[%dma_wait3A_85, %dma_wait3A_94, %dma_wait3A_95] : memref<2x50x500xf32, #tpu.memory_space<vmem>> -> memref<1x50x500xf32, #tpu.memory_space<vmem>>
    %dma_wait3A_97 = tpu.memref_squeeze %dma_wait3A_96 : memref<1x50x500xf32, #tpu.memory_space<vmem>> -> memref<50x500xf32, #tpu.memory_space<vmem>>
    %dma_wait3A_98 = arith.constant 0 : i32
    %dma_wait3A_99 = arith.constant 0 : i32
    %dma_wait3A_100 = tpu.memref_slice %arg2[%add3A_23, %dma_wait3A_98, %dma_wait3A_99] : memref<1024x50x500xf32, #tpu.memory_space<hbm>> -> memref<1x50x500xf32, #tpu.memory_space<hbm>>
    %dma_wait3A_101 = tpu.memref_squeeze %dma_wait3A_100 : memref<1x50x500xf32, #tpu.memory_space<hbm>> -> memref<50x500xf32, #tpu.memory_space<hbm>>
    tpu.wait_dma2 semaphore(%arg7 : memref<!tpu.dma_semaphore, #tpu.memory_space<semaphore_mem>>) src(%dma_wait3A_101 : memref<50x500xf32, #tpu.memory_space<hbm>>) dst(%dma_wait3A_97 : memref<50x500xf32, #tpu.memory_space<vmem>>)
    %get3A_102 = arith.constant 1 : i32
    %get3A_103 = arith.constant 0 : i32
    %get3A_104 = arith.index_cast %get3A_102 : i32 to index
    %get3A_105 = arith.index_cast %get3A_103 : i32 to index
    %get3A_106 = arith.constant 0 : index
    %get3A_107 = tpu.vector_load %arg4[%get3A_104, %get3A_105, %get3A_106] {strides = array<i32>} : memref<2x50x500xf32, #tpu.memory_space<vmem>>, vector<1x1x16xf32>,
    %get3A_108 = vector.shape_cast %get3A_107 : vector<1x1x16xf32> to vector<16xf32>
    %add3A_109 = arith.addf %add3A_63, %get3A_108 : vector<16xf32>
    %add3A_110 = arith.constant 2 : i32
    %add3A_111 = arith.addi %mul3A_2, %add3A_110 : i32
    %add3A_112 = arith.constant 1 : i32
    %add3A_113 = arith.addi %add3A_111, %add3A_112 : i32
    %dma_start3A_114 = arith.constant 1 : i32
    %dma_start3A_115 = arith.constant 0 : i32
    %dma_start3A_116 = arith.constant 0 : i32
    %dma_start3A_117 = tpu.memref_slice %arg4[%dma_start3A_114, %dma_start3A_115, %dma_start3A_116] : memref<2x50x500xf32, #tpu.memory_space<vmem>> -> memref<1x50x500xf32, #tpu.memory_space<vmem>>
    %dma_start3A_118 = tpu.memref_squeeze %dma_start3A_117 : memref<1x50x500xf32, #tpu.memory_space<vmem>> -> memref<50x500xf32, #tpu.memory_space<vmem>>
    %dma_start3A_119 = arith.constant 0 : i32
    %dma_start3A_120 = arith.constant 0 : i32
    %dma_start3A_121 = tpu.memref_slice %arg2[%add3A_113, %dma_start3A_119, %dma_start3A_120] : memref<1024x50x500xf32, #tpu.memory_space<hbm>> -> memref<1x50x500xf32, #tpu.memory_space<hbm>>
    %dma_start3A_122 = tpu.memref_squeeze %dma_start3A_121 : memref<1x50x500xf32, #tpu.memory_space<hbm>> -> memref<50x500xf32, #tpu.memory_space<hbm>>
    %dma_start3A_123 = arith.constant 0 : i32
    %dma_start3A_124 = arith.constant 0 : i32
    %dma_start3A_125 = tpu.memref_slice %arg4[%dma_start3A_114, %dma_start3A_123, %dma_start3A_124] : memref<2x50x500xf32, #tpu.memory_space<vmem>> -> memref<1x50x500xf32, #tpu.memory_space<vmem>>
    %dma_start3A_126 = tpu.memref_squeeze %dma_start3A_125 : memref<1x50x500xf32, #tpu.memory_space<vmem>> -> memref<50x500xf32, #tpu.memory_space<vmem>>
    %dma_start3A_127 = arith.constant 0 : i32
    %dma_start3A_128 = arith.constant 0 : i32
    %dma_start3A_129 = tpu.memref_slice %arg2[%add3A_113, %dma_start3A_127, %dma_start3A_128] : memref<1024x50x500xf32, #tpu.memory_space<hbm>> -> memref<1x50x500xf32, #tpu.memory_space<hbm>>
    %dma_start3A_130 = tpu.memref_squeeze %dma_start3A_129 : memref<1x50x500xf32, #tpu.memory_space<hbm>> -> memref<50x500xf32, #tpu.memory_space<hbm>>
    tpu.enqueue_dma source(%dma_start3A_130 : memref<50x500xf32, #tpu.memory_space<hbm>>) target(%dma_start3A_126 : memref<50x500xf32, #tpu.memory_space<vmem>>) target_semaphore(%arg7 : memref<!tpu.dma_semaphore, #tpu.memory_space<semaphore_mem>>)
    %dma_wait3A_131 = arith.constant 0 : i32
    %dma_wait3A_132 = arith.constant 0 : i32
    %dma_wait3A_133 = arith.constant 0 : i32
    %dma_wait3A_134 = tpu.memref_slice %arg4[%dma_wait3A_131, %dma_wait3A_132, %dma_wait3A_133] : memref<2x50x500xf32, #tpu.memory_space<vmem>> -> memref<1x50x500xf32, #tpu.memory_space<vmem>>
    %dma_wait3A_135 = tpu.memref_squeeze %dma_wait3A_134 : memref<1x50x500xf32, #tpu.memory_space<vmem>> -> memref<50x500xf32, #tpu.memory_space<vmem>>
    %dma_wait3A_136 = arith.constant 0 : i32
    %dma_wait3A_137 = arith.constant 0 : i32
    %dma_wait3A_138 = tpu.memref_slice %arg2[%add3A_67, %dma_wait3A_136, %dma_wait3A_137] : memref<1024x50x500xf32, #tpu.memory_space<hbm>> -> memref<1x50x500xf32, #tpu.memory_space<hbm>>
    %dma_wait3A_139 = tpu.memref_squeeze %dma_wait3A_138 : memref<1x50x500xf32, #tpu.memory_space<hbm>> -> memref<50x500xf32, #tpu.memory_space<hbm>>
    %dma_wait3A_140 = arith.constant 0 : i32
    %dma_wait3A_141 = arith.constant 0 : i32
    %dma_wait3A_142 = tpu.memref_slice %arg4[%dma_wait3A_131, %dma_wait3A_140, %dma_wait3A_141] : memref<2x50x500xf32, #tpu.memory_space<vmem>> -> memref<1x50x500xf32, #tpu.memory_space<vmem>>
    %dma_wait3A_143 = tpu.memref_squeeze %dma_wait3A_142 : memref<1x50x500xf32, #tpu.memory_space<vmem>> -> memref<50x500xf32, #tpu.memory_space<vmem>>
    %dma_wait3A_144 = arith.constant 0 : i32
    %dma_wait3A_145 = arith.constant 0 : i32
    %dma_wait3A_146 = tpu.memref_slice %arg2[%add3A_67, %dma_wait3A_144, %dma_wait3A_145] : memref<1024x50x500xf32, #tpu.memory_space<hbm>> -> memref<1x50x500xf32, #tpu.memory_space<hbm>>
    %dma_wait3A_147 = tpu.memref_squeeze %dma_wait3A_146 : memref<1x50x500xf32, #tpu.memory_space<hbm>> -> memref<50x500xf32, #tpu.memory_space<hbm>>
    tpu.wait_dma2 semaphore(%arg6 : memref<!tpu.dma_semaphore, #tpu.memory_space<semaphore_mem>>) src(%dma_wait3A_147 : memref<50x500xf32, #tpu.memory_space<hbm>>) dst(%dma_wait3A_143 : memref<50x500xf32, #tpu.memory_space<vmem>>)
    %get3A_148 = arith.constant 0 : i32
    %get3A_149 = arith.constant 0 : i32
    %get3A_150 = arith.index_cast %get3A_148 : i32 to index
    %get3A_151 = arith.index_cast %get3A_149 : i32 to index
    %get3A_152 = arith.constant 0 : index
    %get3A_153 = tpu.vector_load %arg4[%get3A_150, %get3A_151, %get3A_152] {strides = array<i32>} : memref<2x50x500xf32, #tpu.memory_space<vmem>>, vector<1x1x16xf32>,
    %get3A_154 = vector.shape_cast %get3A_153 : vector<1x1x16xf32> to vector<16xf32>
    %add3A_155 = arith.addf %add3A_109, %get3A_154 : vector<16xf32>
    %add3A_156 = arith.constant 3 : i32
    %add3A_157 = arith.addi %mul3A_2, %add3A_156 : i32
    %add3A_158 = arith.constant 1 : i32
    %add3A_159 = arith.addi %add3A_157, %add3A_158 : i32
    %dma_start3A_160 = arith.constant 0 : i32
    %dma_start3A_161 = arith.constant 0 : i32
    %dma_start3A_162 = arith.constant 0 : i32
    %dma_start3A_163 = tpu.memref_slice %arg4[%dma_start3A_160, %dma_start3A_161, %dma_start3A_162] : memref<2x50x500xf32, #tpu.memory_space<vmem>> -> memref<1x50x500xf32, #tpu.memory_space<vmem>>
    %dma_start3A_164 = tpu.memref_squeeze %dma_start3A_163 : memref<1x50x500xf32, #tpu.memory_space<vmem>> -> memref<50x500xf32, #tpu.memory_space<vmem>>
    %dma_start3A_165 = arith.constant 0 : i32
    %dma_start3A_166 = arith.constant 0 : i32
    %dma_start3A_167 = tpu.memref_slice %arg2[%add3A_159, %dma_start3A_165, %dma_start3A_166] : memref<1024x50x500xf32, #tpu.memory_space<hbm>> -> memref<1x50x500xf32, #tpu.memory_space<hbm>>
    %dma_start3A_168 = tpu.memref_squeeze %dma_start3A_167 : memref<1x50x500xf32, #tpu.memory_space<hbm>> -> memref<50x500xf32, #tpu.memory_space<hbm>>
    %dma_start3A_169 = arith.constant 0 : i32
    %dma_start3A_170 = arith.constant 0 : i32
    %dma_start3A_171 = tpu.memref_slice %arg4[%dma_start3A_160, %dma_start3A_169, %dma_start3A_170] : memref<2x50x500xf32, #tpu.memory_space<vmem>> -> memref<1x50x500xf32, #tpu.memory_space<vmem>>
    %dma_start3A_172 = tpu.memref_squeeze %dma_start3A_171 : memref<1x50x500xf32, #tpu.memory_space<vmem>> -> memref<50x500xf32, #tpu.memory_space<vmem>>
    %dma_start3A_173 = arith.constant 0 : i32
    %dma_start3A_174 = arith.constant 0 : i32
    %dma_start3A_175 = tpu.memref_slice %arg2[%add3A_159, %dma_start3A_173, %dma_start3A_174] : memref<1024x50x500xf32, #tpu.memory_space<hbm>> -> memref<1x50x500xf32, #tpu.memory_space<hbm>>
    %dma_start3A_176 = tpu.memref_squeeze %dma_start3A_175 : memref<1x50x500xf32, #tpu.memory_space<hbm>> -> memref<50x500xf32, #tpu.memory_space<hbm>>
    tpu.enqueue_dma source(%dma_start3A_176 : memref<50x500xf32, #tpu.memory_space<hbm>>) target(%dma_start3A_172 : memref<50x500xf32, #tpu.memory_space<vmem>>) target_semaphore(%arg6 : memref<!tpu.dma_semaphore, #tpu.memory_space<semaphore_mem>>)
    %dma_wait3A_177 = arith.constant 1 : i32
    %dma_wait3A_178 = arith.constant 0 : i32
    %dma_wait3A_179 = arith.constant 0 : i32
    %dma_wait3A_180 = tpu.memref_slice %arg4[%dma_wait3A_177, %dma_wait3A_178, %dma_wait3A_179] : memref<2x50x500xf32, #tpu.memory_space<vmem>> -> memref<1x50x500xf32, #tpu.memory_space<vmem>>
    %dma_wait3A_181 = tpu.memref_squeeze %dma_wait3A_180 : memref<1x50x500xf32, #tpu.memory_space<vmem>> -> memref<50x500xf32, #tpu.memory_space<vmem>>
    %dma_wait3A_182 = arith.constant 0 : i32
    %dma_wait3A_183 = arith.constant 0 : i32
    %dma_wait3A_184 = tpu.memref_slice %arg2[%add3A_113, %dma_wait3A_182, %dma_wait3A_183] : memref<1024x50x500xf32, #tpu.memory_space<hbm>> -> memref<1x50x500xf32, #tpu.memory_space<hbm>>
    %dma_wait3A_185 = tpu.memref_squeeze %dma_wait3A_184 : memref<1x50x500xf32, #tpu.memory_space<hbm>> -> memref<50x500xf32, #tpu.memory_space<hbm>>
    %dma_wait3A_186 = arith.constant 0 : i32
    %dma_wait3A_187 = arith.constant 0 : i32
    %dma_wait3A_188 = tpu.memref_slice %arg4[%dma_wait3A_177, %dma_wait3A_186, %dma_wait3A_187] : memref<2x50x500xf32, #tpu.memory_space<vmem>> -> memref<1x50x500xf32, #tpu.memory_space<vmem>>
    %dma_wait3A_189 = tpu.memref_squeeze %dma_wait3A_188 : memref<1x50x500xf32, #tpu.memory_space<vmem>> -> memref<50x500xf32, #tpu.memory_space<vmem>>
    %dma_wait3A_190 = arith.constant 0 : i32
    %dma_wait3A_191 = arith.constant 0 : i32
    %dma_wait3A_192 = tpu.memref_slice %arg2[%add3A_113, %dma_wait3A_190, %dma_wait3A_191] : memref<1024x50x500xf32, #tpu.memory_space<hbm>> -> memref<1x50x500xf32, #tpu.memory_space<hbm>>
    %dma_wait3A_193 = tpu.memref_squeeze %dma_wait3A_192 : memref<1x50x500xf32, #tpu.memory_space<hbm>> -> memref<50x500xf32, #tpu.memory_space<hbm>>
    tpu.wait_dma2 semaphore(%arg7 : memref<!tpu.dma_semaphore, #tpu.memory_space<semaphore_mem>>) src(%dma_wait3A_193 : memref<50x500xf32, #tpu.memory_space<hbm>>) dst(%dma_wait3A_189 : memref<50x500xf32, #tpu.memory_space<vmem>>)
    %get3A_194 = arith.constant 1 : i32
    %get3A_195 = arith.constant 0 : i32
    %get3A_196 = arith.index_cast %get3A_194 : i32 to index
    %get3A_197 = arith.index_cast %get3A_195 : i32 to index
    %get3A_198 = arith.constant 0 : index
    %get3A_199 = tpu.vector_load %arg4[%get3A_196, %get3A_197, %get3A_198] {strides = array<i32>} : memref<2x50x500xf32, #tpu.memory_space<vmem>>, vector<1x1x16xf32>,
    %get3A_200 = vector.shape_cast %get3A_199 : vector<1x1x16xf32> to vector<16xf32>
    %add3A_201 = arith.addf %add3A_155, %get3A_200 : vector<16xf32>
    %add3A_202 = arith.constant 4 : i32
    %add3A_203 = arith.addi %mul3A_2, %add3A_202 : i32
    %add3A_204 = arith.constant 1 : i32
    %add3A_205 = arith.addi %add3A_203, %add3A_204 : i32
    %dma_start3A_206 = arith.constant 1 : i32
    %dma_start3A_207 = arith.constant 0 : i32
    %dma_start3A_208 = arith.constant 0 : i32
    %dma_start3A_209 = tpu.memref_slice %arg4[%dma_start3A_206, %dma_start3A_207, %dma_start3A_208] : memref<2x50x500xf32, #tpu.memory_space<vmem>> -> memref<1x50x500xf32, #tpu.memory_space<vmem>>
    %dma_start3A_210 = tpu.memref_squeeze %dma_start3A_209 : memref<1x50x500xf32, #tpu.memory_space<vmem>> -> memref<50x500xf32, #tpu.memory_space<vmem>>
    %dma_start3A_211 = arith.constant 0 : i32
    %dma_start3A_212 = arith.constant 0 : i32
    %dma_start3A_213 = tpu.memref_slice %arg2[%add3A_205, %dma_start3A_211, %dma_start3A_212] : memref<1024x50x500xf32, #tpu.memory_space<hbm>> -> memref<1x50x500xf32, #tpu.memory_space<hbm>>
    %dma_start3A_214 = tpu.memref_squeeze %dma_start3A_213 : memref<1x50x500xf32, #tpu.memory_space<hbm>> -> memref<50x500xf32, #tpu.memory_space<hbm>>
    %dma_start3A_215 = arith.constant 0 : i32
    %dma_start3A_216 = arith.constant 0 : i32
    %dma_start3A_217 = tpu.memref_slice %arg4[%dma_start3A_206, %dma_start3A_215, %dma_start3A_216] : memref<2x50x500xf32, #tpu.memory_space<vmem>> -> memref<1x50x500xf32, #tpu.memory_space<vmem>>
    %dma_start3A_218 = tpu.memref_squeeze %dma_start3A_217 : memref<1x50x500xf32, #tpu.memory_space<vmem>> -> memref<50x500xf32, #tpu.memory_space<vmem>>
    %dma_start3A_219 = arith.constant 0 : i32
    %dma_start3A_220 = arith.constant 0 : i32
    %dma_start3A_221 = tpu.memref_slice %arg2[%add3A_205, %dma_start3A_219, %dma_start3A_220] : memref<1024x50x500xf32, #tpu.memory_space<hbm>> -> memref<1x50x500xf32, #tpu.memory_space<hbm>>
    %dma_start3A_222 = tpu.memref_squeeze %dma_start3A_221 : memref<1x50x500xf32, #tpu.memory_space<hbm>> -> memref<50x500xf32, #tpu.memory_space<hbm>>
    tpu.enqueue_dma source(%dma_start3A_222 : memref<50x500xf32, #tpu.memory_space<hbm>>) target(%dma_start3A_218 : memref<50x500xf32, #tpu.memory_space<vmem>>) target_semaphore(%arg7 : memref<!tpu.dma_semaphore, #tpu.memory_space<semaphore_mem>>)
    %dma_wait3A_223 = arith.constant 0 : i32
    %dma_wait3A_224 = arith.constant 0 : i32
    %dma_wait3A_225 = arith.constant 0 : i32
    %dma_wait3A_226 = tpu.memref_slice %arg4[%dma_wait3A_223, %dma_wait3A_224, %dma_wait3A_225] : memref<2x50x500xf32, #tpu.memory_space<vmem>> -> memref<1x50x500xf32, #tpu.memory_space<vmem>>
    %dma_wait3A_227 = tpu.memref_squeeze %dma_wait3A_226 : memref<1x50x500xf32, #tpu.memory_space<vmem>> -> memref<50x500xf32, #tpu.memory_space<vmem>>
    %dma_wait3A_228 = arith.constant 0 : i32
    %dma_wait3A_229 = arith.constant 0 : i32
    %dma_wait3A_230 = tpu.memref_slice %arg2[%add3A_159, %dma_wait3A_228, %dma_wait3A_229] : memref<1024x50x500xf32, #tpu.memory_space<hbm>> -> memref<1x50x500xf32, #tpu.memory_space<hbm>>
    %dma_wait3A_231 = tpu.memref_squeeze %dma_wait3A_230 : memref<1x50x500xf32, #tpu.memory_space<hbm>> -> memref<50x500xf32, #tpu.memory_space<hbm>>
    %dma_wait3A_232 = arith.constant 0 : i32
    %dma_wait3A_233 = arith.constant 0 : i32
    %dma_wait3A_234 = tpu.memref_slice %arg4[%dma_wait3A_223, %dma_wait3A_232, %dma_wait3A_233] : memref<2x50x500xf32, #tpu.memory_space<vmem>> -> memref<1x50x500xf32, #tpu.memory_space<vmem>>
    %dma_wait3A_235 = tpu.memref_squeeze %dma_wait3A_234 : memref<1x50x500xf32, #tpu.memory_space<vmem>> -> memref<50x500xf32, #tpu.memory_space<vmem>>
    %dma_wait3A_236 = arith.constant 0 : i32
    %dma_wait3A_237 = arith.constant 0 : i32
    %dma_wait3A_238 = tpu.memref_slice %arg2[%add3A_159, %dma_wait3A_236, %dma_wait3A_237] : memref<1024x50x500xf32, #tpu.memory_space<hbm>> -> memref<1x50x500xf32, #tpu.memory_space<hbm>>
    %dma_wait3A_239 = tpu.memref_squeeze %dma_wait3A_238 : memref<1x50x500xf32, #tpu.memory_space<hbm>> -> memref<50x500xf32, #tpu.memory_space<hbm>>
    tpu.wait_dma2 semaphore(%arg6 : memref<!tpu.dma_semaphore, #tpu.memory_space<semaphore_mem>>) src(%dma_wait3A_239 : memref<50x500xf32, #tpu.memory_space<hbm>>) dst(%dma_wait3A_235 : memref<50x500xf32, #tpu.memory_space<vmem>>)
    %get3A_240 = arith.constant 0 : i32
    %get3A_241 = arith.constant 0 : i32
    %get3A_242 = arith.index_cast %get3A_240 : i32 to index
    %get3A_243 = arith.index_cast %get3A_241 : i32 to index
    %get3A_244 = arith.constant 0 : index
    %get3A_245 = tpu.vector_load %arg4[%get3A_242, %get3A_243, %get3A_244] {strides = array<i32>} : memref<2x50x500xf32, #tpu.memory_space<vmem>>, vector<1x1x16xf32>,
    %get3A_246 = vector.shape_cast %get3A_245 : vector<1x1x16xf32> to vector<16xf32>
    %add3A_247 = arith.addf %add3A_201, %get3A_246 : vector<16xf32>
    %add3A_248 = arith.constant 5 : i32
    %add3A_249 = arith.addi %mul3A_2, %add3A_248 : i32
    %add3A_250 = arith.constant 1 : i32
    %add3A_251 = arith.addi %add3A_249, %add3A_250 : i32
    %dma_start3A_252 = arith.constant 0 : i32
    %dma_start3A_253 = arith.constant 0 : i32
    %dma_start3A_254 = arith.constant 0 : i32
    %dma_start3A_255 = tpu.memref_slice %arg4[%dma_start3A_252, %dma_start3A_253, %dma_start3A_254] : memref<2x50x500xf32, #tpu.memory_space<vmem>> -> memref<1x50x500xf32, #tpu.memory_space<vmem>>
    %dma_start3A_256 = tpu.memref_squeeze %dma_start3A_255 : memref<1x50x500xf32, #tpu.memory_space<vmem>> -> memref<50x500xf32, #tpu.memory_space<vmem>>
    %dma_start3A_257 = arith.constant 0 : i32
    %dma_start3A_258 = arith.constant 0 : i32
    %dma_start3A_259 = tpu.memref_slice %arg2[%add3A_251, %dma_start3A_257, %dma_start3A_258] : memref<1024x50x500xf32, #tpu.memory_space<hbm>> -> memref<1x50x500xf32, #tpu.memory_space<hbm>>
    %dma_start3A_260 = tpu.memref_squeeze %dma_start3A_259 : memref<1x50x500xf32, #tpu.memory_space<hbm>> -> memref<50x500xf32, #tpu.memory_space<hbm>>
    %dma_start3A_261 = arith.constant 0 : i32
    %dma_start3A_262 = arith.constant 0 : i32
    %dma_start3A_263 = tpu.memref_slice %arg4[%dma_start3A_252, %dma_start3A_261, %dma_start3A_262] : memref<2x50x500xf32, #tpu.memory_space<vmem>> -> memref<1x50x500xf32, #tpu.memory_space<vmem>>
    %dma_start3A_264 = tpu.memref_squeeze %dma_start3A_263 : memref<1x50x500xf32, #tpu.memory_space<vmem>> -> memref<50x500xf32, #tpu.memory_space<vmem>>
    %dma_start3A_265 = arith.constant 0 : i32
    %dma_start3A_266 = arith.constant 0 : i32
    %dma_start3A_267 = tpu.memref_slice %arg2[%add3A_251, %dma_start3A_265, %dma_start3A_266] : memref<1024x50x500xf32, #tpu.memory_space<hbm>> -> memref<1x50x500xf32, #tpu.memory_space<hbm>>
    %dma_start3A_268 = tpu.memref_squeeze %dma_start3A_267 : memref<1x50x500xf32, #tpu.memory_space<hbm>> -> memref<50x500xf32, #tpu.memory_space<hbm>>
    tpu.enqueue_dma source(%dma_start3A_268 : memref<50x500xf32, #tpu.memory_space<hbm>>) target(%dma_start3A_264 : memref<50x500xf32, #tpu.memory_space<vmem>>) target_semaphore(%arg6 : memref<!tpu.dma_semaphore, #tpu.memory_space<semaphore_mem>>)
    %dma_wait3A_269 = arith.constant 1 : i32
    %dma_wait3A_270 = arith.constant 0 : i32
    %dma_wait3A_271 = arith.constant 0 : i32
    %dma_wait3A_272 = tpu.memref_slice %arg4[%dma_wait3A_269, %dma_wait3A_270, %dma_wait3A_271] : memref<2x50x500xf32, #tpu.memory_space<vmem>> -> memref<1x50x500xf32, #tpu.memory_space<vmem>>
    %dma_wait3A_273 = tpu.memref_squeeze %dma_wait3A_272 : memref<1x50x500xf32, #tpu.memory_space<vmem>> -> memref<50x500xf32, #tpu.memory_space<vmem>>
    %dma_wait3A_274 = arith.constant 0 : i32
    %dma_wait3A_275 = arith.constant 0 : i32
    %dma_wait3A_276 = tpu.memref_slice %arg2[%add3A_205, %dma_wait3A_274, %dma_wait3A_275] : memref<1024x50x500xf32, #tpu.memory_space<hbm>> -> memref<1x50x500xf32, #tpu.memory_space<hbm>>
    %dma_wait3A_277 = tpu.memref_squeeze %dma_wait3A_276 : memref<1x50x500xf32, #tpu.memory_space<hbm>> -> memref<50x500xf32, #tpu.memory_space<hbm>>
    %dma_wait3A_278 = arith.constant 0 : i32
    %dma_wait3A_279 = arith.constant 0 : i32
    %dma_wait3A_280 = tpu.memref_slice %arg4[%dma_wait3A_269, %dma_wait3A_278, %dma_wait3A_279] : memref<2x50x500xf32, #tpu.memory_space<vmem>> -> memref<1x50x500xf32, #tpu.memory_space<vmem>>
    %dma_wait3A_281 = tpu.memref_squeeze %dma_wait3A_280 : memref<1x50x500xf32, #tpu.memory_space<vmem>> -> memref<50x500xf32, #tpu.memory_space<vmem>>
    %dma_wait3A_282 = arith.constant 0 : i32
    %dma_wait3A_283 = arith.constant 0 : i32
    %dma_wait3A_284 = tpu.memref_slice %arg2[%add3A_205, %dma_wait3A_282, %dma_wait3A_283] : memref<1024x50x500xf32, #tpu.memory_space<hbm>> -> memref<1x50x500xf32, #tpu.memory_space<hbm>>
    %dma_wait3A_285 = tpu.memref_squeeze %dma_wait3A_284 : memref<1x50x500xf32, #tpu.memory_space<hbm>> -> memref<50x500xf32, #tpu.memory_space<hbm>>
    tpu.wait_dma2 semaphore(%arg7 : memref<!tpu.dma_semaphore, #tpu.memory_space<semaphore_mem>>) src(%dma_wait3A_285 : memref<50x500xf32, #tpu.memory_space<hbm>>) dst(%dma_wait3A_281 : memref<50x500xf32, #tpu.memory_space<vmem>>)
    %get3A_286 = arith.constant 1 : i32
    %get3A_287 = arith.constant 0 : i32
    %get3A_288 = arith.index_cast %get3A_286 : i32 to index
    %get3A_289 = arith.index_cast %get3A_287 : i32 to index
    %get3A_290 = arith.constant 0 : index
    %get3A_291 = tpu.vector_load %arg4[%get3A_288, %get3A_289, %get3A_290] {strides = array<i32>} : memref<2x50x500xf32, #tpu.memory_space<vmem>>, vector<1x1x16xf32>,
    %get3A_292 = vector.shape_cast %get3A_291 : vector<1x1x16xf32> to vector<16xf32>
    %add3A_293 = arith.addf %add3A_247, %get3A_292 : vector<16xf32>
    %add3A_294 = arith.constant 6 : i32
    %add3A_295 = arith.addi %mul3A_2, %add3A_294 : i32
    %add3A_296 = arith.constant 1 : i32
    %add3A_297 = arith.addi %add3A_295, %add3A_296 : i32
    %dma_start3A_298 = arith.constant 1 : i32
    %dma_start3A_299 = arith.constant 0 : i32
    %dma_start3A_300 = arith.constant 0 : i32
    %dma_start3A_301 = tpu.memref_slice %arg4[%dma_start3A_298, %dma_start3A_299, %dma_start3A_300] : memref<2x50x500xf32, #tpu.memory_space<vmem>> -> memref<1x50x500xf32, #tpu.memory_space<vmem>>
    %dma_start3A_302 = tpu.memref_squeeze %dma_start3A_301 : memref<1x50x500xf32, #tpu.memory_space<vmem>> -> memref<50x500xf32, #tpu.memory_space<vmem>>
    %dma_start3A_303 = arith.constant 0 : i32
    %dma_start3A_304 = arith.constant 0 : i32
    %dma_start3A_305 = tpu.memref_slice %arg2[%add3A_297, %dma_start3A_303, %dma_start3A_304] : memref<1024x50x500xf32, #tpu.memory_space<hbm>> -> memref<1x50x500xf32, #tpu.memory_space<hbm>>
    %dma_start3A_306 = tpu.memref_squeeze %dma_start3A_305 : memref<1x50x500xf32, #tpu.memory_space<hbm>> -> memref<50x500xf32, #tpu.memory_space<hbm>>
    %dma_start3A_307 = arith.constant 0 : i32
    %dma_start3A_308 = arith.constant 0 : i32
    %dma_start3A_309 = tpu.memref_slice %arg4[%dma_start3A_298, %dma_start3A_307, %dma_start3A_308] : memref<2x50x500xf32, #tpu.memory_space<vmem>> -> memref<1x50x500xf32, #tpu.memory_space<vmem>>
    %dma_start3A_310 = tpu.memref_squeeze %dma_start3A_309 : memref<1x50x500xf32, #tpu.memory_space<vmem>> -> memref<50x500xf32, #tpu.memory_space<vmem>>
    %dma_start3A_311 = arith.constant 0 : i32
    %dma_start3A_312 = arith.constant 0 : i32
    %dma_start3A_313 = tpu.memref_slice %arg2[%add3A_297, %dma_start3A_311, %dma_start3A_312] : memref<1024x50x500xf32, #tpu.memory_space<hbm>> -> memref<1x50x500xf32, #tpu.memory_space<hbm>>
    %dma_start3A_314 = tpu.memref_squeeze %dma_start3A_313 : memref<1x50x500xf32, #tpu.memory_space<hbm>> -> memref<50x500xf32, #tpu.memory_space<hbm>>
    tpu.enqueue_dma source(%dma_start3A_314 : memref<50x500xf32, #tpu.memory_space<hbm>>) target(%dma_start3A_310 : memref<50x500xf32, #tpu.memory_space<vmem>>) target_semaphore(%arg7 : memref<!tpu.dma_semaphore, #tpu.memory_space<semaphore_mem>>)
    %dma_wait3A_315 = arith.constant 0 : i32
    %dma_wait3A_316 = arith.constant 0 : i32
    %dma_wait3A_317 = arith.constant 0 : i32
    %dma_wait3A_318 = tpu.memref_slice %arg4[%dma_wait3A_315, %dma_wait3A_316, %dma_wait3A_317] : memref<2x50x500xf32, #tpu.memory_space<vmem>> -> memref<1x50x500xf32, #tpu.memory_space<vmem>>
    %dma_wait3A_319 = tpu.memref_squeeze %dma_wait3A_318 : memref<1x50x500xf32, #tpu.memory_space<vmem>> -> memref<50x500xf32, #tpu.memory_space<vmem>>
    %dma_wait3A_320 = arith.constant 0 : i32
    %dma_wait3A_321 = arith.constant 0 : i32
    %dma_wait3A_322 = tpu.memref_slice %arg2[%add3A_251, %dma_wait3A_320, %dma_wait3A_321] : memref<1024x50x500xf32, #tpu.memory_space<hbm>> -> memref<1x50x500xf32, #tpu.memory_space<hbm>>
    %dma_wait3A_323 = tpu.memref_squeeze %dma_wait3A_322 : memref<1x50x500xf32, #tpu.memory_space<hbm>> -> memref<50x500xf32, #tpu.memory_space<hbm>>
    %dma_wait3A_324 = arith.constant 0 : i32
    %dma_wait3A_325 = arith.constant 0 : i32
    %dma_wait3A_326 = tpu.memref_slice %arg4[%dma_wait3A_315, %dma_wait3A_324, %dma_wait3A_325] : memref<2x50x500xf32, #tpu.memory_space<vmem>> -> memref<1x50x500xf32, #tpu.memory_space<vmem>>
    %dma_wait3A_327 = tpu.memref_squeeze %dma_wait3A_326 : memref<1x50x500xf32, #tpu.memory_space<vmem>> -> memref<50x500xf32, #tpu.memory_space<vmem>>
    %dma_wait3A_328 = arith.constant 0 : i32
    %dma_wait3A_329 = arith.constant 0 : i32
    %dma_wait3A_330 = tpu.memref_slice %arg2[%add3A_251, %dma_wait3A_328, %dma_wait3A_329] : memref<1024x50x500xf32, #tpu.memory_space<hbm>> -> memref<1x50x500xf32, #tpu.memory_space<hbm>>
    %dma_wait3A_331 = tpu.memref_squeeze %dma_wait3A_330 : memref<1x50x500xf32, #tpu.memory_space<hbm>> -> memref<50x500xf32, #tpu.memory_space<hbm>>
    tpu.wait_dma2 semaphore(%arg6 : memref<!tpu.dma_semaphore, #tpu.memory_space<semaphore_mem>>) src(%dma_wait3A_331 : memref<50x500xf32, #tpu.memory_space<hbm>>) dst(%dma_wait3A_327 : memref<50x500xf32, #tpu.memory_space<vmem>>)
    %get3A_332 = arith.constant 0 : i32
    %get3A_333 = arith.constant 0 : i32
    %get3A_334 = arith.index_cast %get3A_332 : i32 to index
    %get3A_335 = arith.index_cast %get3A_333 : i32 to index
    %get3A_336 = arith.constant 0 : index
    %get3A_337 = tpu.vector_load %arg4[%get3A_334, %get3A_335, %get3A_336] {strides = array<i32>} : memref<2x50x500xf32, #tpu.memory_space<vmem>>, vector<1x1x16xf32>,
    %get3A_338 = vector.shape_cast %get3A_337 : vector<1x1x16xf32> to vector<16xf32>
    %add3A_339 = arith.addf %add3A_293, %get3A_338 : vector<16xf32>
    %add3A_340 = arith.constant 7 : i32
    %add3A_341 = arith.addi %mul3A_2, %add3A_340 : i32
    %add3A_342 = arith.constant 1 : i32
    %add3A_343 = arith.addi %add3A_341, %add3A_342 : i32
    %dma_start3A_344 = arith.constant 0 : i32
    %dma_start3A_345 = arith.constant 0 : i32
    %dma_start3A_346 = arith.constant 0 : i32
    %dma_start3A_347 = tpu.memref_slice %arg4[%dma_start3A_344, %dma_start3A_345, %dma_start3A_346] : memref<2x50x500xf32, #tpu.memory_space<vmem>> -> memref<1x50x500xf32, #tpu.memory_space<vmem>>
    %dma_start3A_348 = tpu.memref_squeeze %dma_start3A_347 : memref<1x50x500xf32, #tpu.memory_space<vmem>> -> memref<50x500xf32, #tpu.memory_space<vmem>>
    %dma_start3A_349 = arith.constant 0 : i32
    %dma_start3A_350 = arith.constant 0 : i32
    %dma_start3A_351 = tpu.memref_slice %arg2[%add3A_343, %dma_start3A_349, %dma_start3A_350] : memref<1024x50x500xf32, #tpu.memory_space<hbm>> -> memref<1x50x500xf32, #tpu.memory_space<hbm>>
    %dma_start3A_352 = tpu.memref_squeeze %dma_start3A_351 : memref<1x50x500xf32, #tpu.memory_space<hbm>> -> memref<50x500xf32, #tpu.memory_space<hbm>>
    %dma_start3A_353 = arith.constant 0 : i32
    %dma_start3A_354 = arith.constant 0 : i32
    %dma_start3A_355 = tpu.memref_slice %arg4[%dma_start3A_344, %dma_start3A_353, %dma_start3A_354] : memref<2x50x500xf32, #tpu.memory_space<vmem>> -> memref<1x50x500xf32, #tpu.memory_space<vmem>>
    %dma_start3A_356 = tpu.memref_squeeze %dma_start3A_355 : memref<1x50x500xf32, #tpu.memory_space<vmem>> -> memref<50x500xf32, #tpu.memory_space<vmem>>
    %dma_start3A_357 = arith.constant 0 : i32
    %dma_start3A_358 = arith.constant 0 : i32
    %dma_start3A_359 = tpu.memref_slice %arg2[%add3A_343, %dma_start3A_357, %dma_start3A_358] : memref<1024x50x500xf32, #tpu.memory_space<hbm>> -> memref<1x50x500xf32, #tpu.memory_space<hbm>>
    %dma_start3A_360 = tpu.memref_squeeze %dma_start3A_359 : memref<1x50x500xf32, #tpu.memory_space<hbm>> -> memref<50x500xf32, #tpu.memory_space<hbm>>
    tpu.enqueue_dma source(%dma_start3A_360 : memref<50x500xf32, #tpu.memory_space<hbm>>) target(%dma_start3A_356 : memref<50x500xf32, #tpu.memory_space<vmem>>) target_semaphore(%arg6 : memref<!tpu.dma_semaphore, #tpu.memory_space<semaphore_mem>>)
    %dma_wait3A_361 = arith.constant 1 : i32
    %dma_wait3A_362 = arith.constant 0 : i32
    %dma_wait3A_363 = arith.constant 0 : i32
    %dma_wait3A_364 = tpu.memref_slice %arg4[%dma_wait3A_361, %dma_wait3A_362, %dma_wait3A_363] : memref<2x50x500xf32, #tpu.memory_space<vmem>> -> memref<1x50x500xf32, #tpu.memory_space<vmem>>
    %dma_wait3A_365 = tpu.memref_squeeze %dma_wait3A_364 : memref<1x50x500xf32, #tpu.memory_space<vmem>> -> memref<50x500xf32, #tpu.memory_space<vmem>>
    %dma_wait3A_366 = arith.constant 0 : i32
    %dma_wait3A_367 = arith.constant 0 : i32
    %dma_wait3A_368 = tpu.memref_slice %arg2[%add3A_297, %dma_wait3A_366, %dma_wait3A_367] : memref<1024x50x500xf32, #tpu.memory_space<hbm>> -> memref<1x50x500xf32, #tpu.memory_space<hbm>>
    %dma_wait3A_369 = tpu.memref_squeeze %dma_wait3A_368 : memref<1x50x500xf32, #tpu.memory_space<hbm>> -> memref<50x500xf32, #tpu.memory_space<hbm>>
    %dma_wait3A_370 = arith.constant 0 : i32
    %dma_wait3A_371 = arith.constant 0 : i32
    %dma_wait3A_372 = tpu.memref_slice %arg4[%dma_wait3A_361, %dma_wait3A_370, %dma_wait3A_371] : memref<2x50x500xf32, #tpu.memory_space<vmem>> -> memref<1x50x500xf32, #tpu.memory_space<vmem>>
    %dma_wait3A_373 = tpu.memref_squeeze %dma_wait3A_372 : memref<1x50x500xf32, #tpu.memory_space<vmem>> -> memref<50x500xf32, #tpu.memory_space<vmem>>
    %dma_wait3A_374 = arith.constant 0 : i32
    %dma_wait3A_375 = arith.constant 0 : i32
    %dma_wait3A_376 = tpu.memref_slice %arg2[%add3A_297, %dma_wait3A_374, %dma_wait3A_375] : memref<1024x50x500xf32, #tpu.memory_space<hbm>> -> memref<1x50x500xf32, #tpu.memory_space<hbm>>
    %dma_wait3A_377 = tpu.memref_squeeze %dma_wait3A_376 : memref<1x50x500xf32, #tpu.memory_space<hbm>> -> memref<50x500xf32, #tpu.memory_space<hbm>>
    tpu.wait_dma2 semaphore(%arg7 : memref<!tpu.dma_semaphore, #tpu.memory_space<semaphore_mem>>) src(%dma_wait3A_377 : memref<50x500xf32, #tpu.memory_space<hbm>>) dst(%dma_wait3A_373 : memref<50x500xf32, #tpu.memory_space<vmem>>)
    %get3A_378 = arith.constant 1 : i32
    %get3A_379 = arith.constant 0 : i32
    %get3A_380 = arith.index_cast %get3A_378 : i32 to index
    %get3A_381 = arith.index_cast %get3A_379 : i32 to index
    %get3A_382 = arith.constant 0 : index
    %get3A_383 = tpu.vector_load %arg4[%get3A_380, %get3A_381, %get3A_382] {strides = array<i32>} : memref<2x50x500xf32, #tpu.memory_space<vmem>>, vector<1x1x16xf32>,
    %get3A_384 = vector.shape_cast %get3A_383 : vector<1x1x16xf32> to vector<16xf32>
    %add3A_385 = arith.addf %add3A_339, %get3A_384 : vector<16xf32>
    %add3A_386 = arith.constant 8 : i32
    %add3A_387 = arith.addi %mul3A_2, %add3A_386 : i32
    %add3A_388 = arith.constant 1 : i32
    %add3A_389 = arith.addi %add3A_387, %add3A_388 : i32
    %dma_start3A_390 = arith.constant 1 : i32
    %dma_start3A_391 = arith.constant 0 : i32
    %dma_start3A_392 = arith.constant 0 : i32
    %dma_start3A_393 = tpu.memref_slice %arg4[%dma_start3A_390, %dma_start3A_391, %dma_start3A_392] : memref<2x50x500xf32, #tpu.memory_space<vmem>> -> memref<1x50x500xf32, #tpu.memory_space<vmem>>
    %dma_start3A_394 = tpu.memref_squeeze %dma_start3A_393 : memref<1x50x500xf32, #tpu.memory_space<vmem>> -> memref<50x500xf32, #tpu.memory_space<vmem>>
    %dma_start3A_395 = arith.constant 0 : i32
    %dma_start3A_396 = arith.constant 0 : i32
    %dma_start3A_397 = tpu.memref_slice %arg2[%add3A_389, %dma_start3A_395, %dma_start3A_396] : memref<1024x50x500xf32, #tpu.memory_space<hbm>> -> memref<1x50x500xf32, #tpu.memory_space<hbm>>
    %dma_start3A_398 = tpu.memref_squeeze %dma_start3A_397 : memref<1x50x500xf32, #tpu.memory_space<hbm>> -> memref<50x500xf32, #tpu.memory_space<hbm>>
    %dma_start3A_399 = arith.constant 0 : i32
    %dma_start3A_400 = arith.constant 0 : i32
    %dma_start3A_401 = tpu.memref_slice %arg4[%dma_start3A_390, %dma_start3A_399, %dma_start3A_400] : memref<2x50x500xf32, #tpu.memory_space<vmem>> -> memref<1x50x500xf32, #tpu.memory_space<vmem>>
    %dma_start3A_402 = tpu.memref_squeeze %dma_start3A_401 : memref<1x50x500xf32, #tpu.memory_space<vmem>> -> memref<50x500xf32, #tpu.memory_space<vmem>>
    %dma_start3A_403 = arith.constant 0 : i32
    %dma_start3A_404 = arith.constant 0 : i32
    %dma_start3A_405 = tpu.memref_slice %arg2[%add3A_389, %dma_start3A_403, %dma_start3A_404] : memref<1024x50x500xf32, #tpu.memory_space<hbm>> -> memref<1x50x500xf32, #tpu.memory_space<hbm>>
    %dma_start3A_406 = tpu.memref_squeeze %dma_start3A_405 : memref<1x50x500xf32, #tpu.memory_space<hbm>> -> memref<50x500xf32, #tpu.memory_space<hbm>>
    tpu.enqueue_dma source(%dma_start3A_406 : memref<50x500xf32, #tpu.memory_space<hbm>>) target(%dma_start3A_402 : memref<50x500xf32, #tpu.memory_space<vmem>>) target_semaphore(%arg7 : memref<!tpu.dma_semaphore, #tpu.memory_space<semaphore_mem>>)
    %dma_wait3A_407 = arith.constant 0 : i32
    %dma_wait3A_408 = arith.constant 0 : i32
    %dma_wait3A_409 = arith.constant 0 : i32
    %dma_wait3A_410 = tpu.memref_slice %arg4[%dma_wait3A_407, %dma_wait3A_408, %dma_wait3A_409] : memref<2x50x500xf32, #tpu.memory_space<vmem>> -> memref<1x50x500xf32, #tpu.memory_space<vmem>>
    %dma_wait3A_411 = tpu.memref_squeeze %dma_wait3A_410 : memref<1x50x500xf32, #tpu.memory_space<vmem>> -> memref<50x500xf32, #tpu.memory_space<vmem>>
    %dma_wait3A_412 = arith.constant 0 : i32
    %dma_wait3A_413 = arith.constant 0 : i32
    %dma_wait3A_414 = tpu.memref_slice %arg2[%add3A_343, %dma_wait3A_412, %dma_wait3A_413] : memref<1024x50x500xf32, #tpu.memory_space<hbm>> -> memref<1x50x500xf32, #tpu.memory_space<hbm>>
    %dma_wait3A_415 = tpu.memref_squeeze %dma_wait3A_414 : memref<1x50x500xf32, #tpu.memory_space<hbm>> -> memref<50x500xf32, #tpu.memory_space<hbm>>
    %dma_wait3A_416 = arith.constant 0 : i32
    %dma_wait3A_417 = arith.constant 0 : i32
    %dma_wait3A_418 = tpu.memref_slice %arg4[%dma_wait3A_407, %dma_wait3A_416, %dma_wait3A_417] : memref<2x50x500xf32, #tpu.memory_space<vmem>> -> memref<1x50x500xf32, #tpu.memory_space<vmem>>
    %dma_wait3A_419 = tpu.memref_squeeze %dma_wait3A_418 : memref<1x50x500xf32, #tpu.memory_space<vmem>> -> memref<50x500xf32, #tpu.memory_space<vmem>>
    %dma_wait3A_420 = arith.constant 0 : i32
    %dma_wait3A_421 = arith.constant 0 : i32
    %dma_wait3A_422 = tpu.memref_slice %arg2[%add3A_343, %dma_wait3A_420, %dma_wait3A_421] : memref<1024x50x500xf32, #tpu.memory_space<hbm>> -> memref<1x50x500xf32, #tpu.memory_space<hbm>>
    %dma_wait3A_423 = tpu.memref_squeeze %dma_wait3A_422 : memref<1x50x500xf32, #tpu.memory_space<hbm>> -> memref<50x500xf32, #tpu.memory_space<hbm>>
    tpu.wait_dma2 semaphore(%arg6 : memref<!tpu.dma_semaphore, #tpu.memory_space<semaphore_mem>>) src(%dma_wait3A_423 : memref<50x500xf32, #tpu.memory_space<hbm>>) dst(%dma_wait3A_419 : memref<50x500xf32, #tpu.memory_space<vmem>>)
    %get3A_424 = arith.constant 0 : i32
    %get3A_425 = arith.constant 0 : i32
    %get3A_426 = arith.index_cast %get3A_424 : i32 to index
    %get3A_427 = arith.index_cast %get3A_425 : i32 to index
    %get3A_428 = arith.constant 0 : index
    %get3A_429 = tpu.vector_load %arg4[%get3A_426, %get3A_427, %get3A_428] {strides = array<i32>} : memref<2x50x500xf32, #tpu.memory_space<vmem>>, vector<1x1x16xf32>,
    %get3A_430 = vector.shape_cast %get3A_429 : vector<1x1x16xf32> to vector<16xf32>
    %add3A_431 = arith.addf %add3A_385, %get3A_430 : vector<16xf32>
    %add3A_432 = arith.constant 9 : i32
    %add3A_433 = arith.addi %mul3A_2, %add3A_432 : i32
    %add3A_434 = arith.constant 1 : i32
    %add3A_435 = arith.addi %add3A_433, %add3A_434 : i32
    %dma_start3A_436 = arith.constant 0 : i32
    %dma_start3A_437 = arith.constant 0 : i32
    %dma_start3A_438 = arith.constant 0 : i32
    %dma_start3A_439 = tpu.memref_slice %arg4[%dma_start3A_436, %dma_start3A_437, %dma_start3A_438] : memref<2x50x500xf32, #tpu.memory_space<vmem>> -> memref<1x50x500xf32, #tpu.memory_space<vmem>>
    %dma_start3A_440 = tpu.memref_squeeze %dma_start3A_439 : memref<1x50x500xf32, #tpu.memory_space<vmem>> -> memref<50x500xf32, #tpu.memory_space<vmem>>
    %dma_start3A_441 = arith.constant 0 : i32
    %dma_start3A_442 = arith.constant 0 : i32
    %dma_start3A_443 = tpu.memref_slice %arg2[%add3A_435, %dma_start3A_441, %dma_start3A_442] : memref<1024x50x500xf32, #tpu.memory_space<hbm>> -> memref<1x50x500xf32, #tpu.memory_space<hbm>>
    %dma_start3A_444 = tpu.memref_squeeze %dma_start3A_443 : memref<1x50x500xf32, #tpu.memory_space<hbm>> -> memref<50x500xf32, #tpu.memory_space<hbm>>
    %dma_start3A_445 = arith.constant 0 : i32
    %dma_start3A_446 = arith.constant 0 : i32
    %dma_start3A_447 = tpu.memref_slice %arg4[%dma_start3A_436, %dma_start3A_445, %dma_start3A_446] : memref<2x50x500xf32, #tpu.memory_space<vmem>> -> memref<1x50x500xf32, #tpu.memory_space<vmem>>
    %dma_start3A_448 = tpu.memref_squeeze %dma_start3A_447 : memref<1x50x500xf32, #tpu.memory_space<vmem>> -> memref<50x500xf32, #tpu.memory_space<vmem>>
    %dma_start3A_449 = arith.constant 0 : i32
    %dma_start3A_450 = arith.constant 0 : i32
    %dma_start3A_451 = tpu.memref_slice %arg2[%add3A_435, %dma_start3A_449, %dma_start3A_450] : memref<1024x50x500xf32, #tpu.memory_space<hbm>> -> memref<1x50x500xf32, #tpu.memory_space<hbm>>
    %dma_start3A_452 = tpu.memref_squeeze %dma_start3A_451 : memref<1x50x500xf32, #tpu.memory_space<hbm>> -> memref<50x500xf32, #tpu.memory_space<hbm>>
    tpu.enqueue_dma source(%dma_start3A_452 : memref<50x500xf32, #tpu.memory_space<hbm>>) target(%dma_start3A_448 : memref<50x500xf32, #tpu.memory_space<vmem>>) target_semaphore(%arg6 : memref<!tpu.dma_semaphore, #tpu.memory_space<semaphore_mem>>)
    %dma_wait3A_453 = arith.constant 1 : i32
    %dma_wait3A_454 = arith.constant 0 : i32
    %dma_wait3A_455 = arith.constant 0 : i32
    %dma_wait3A_456 = tpu.memref_slice %arg4[%dma_wait3A_453, %dma_wait3A_454, %dma_wait3A_455] : memref<2x50x500xf32, #tpu.memory_space<vmem>> -> memref<1x50x500xf32, #tpu.memory_space<vmem>>
    %dma_wait3A_457 = tpu.memref_squeeze %dma_wait3A_456 : memref<1x50x500xf32, #tpu.memory_space<vmem>> -> memref<50x500xf32, #tpu.memory_space<vmem>>
    %dma_wait3A_458 = arith.constant 0 : i32
    %dma_wait3A_459 = arith.constant 0 : i32
    %dma_wait3A_460 = tpu.memref_slice %arg2[%add3A_389, %dma_wait3A_458, %dma_wait3A_459] : memref<1024x50x500xf32, #tpu.memory_space<hbm>> -> memref<1x50x500xf32, #tpu.memory_space<hbm>>
    %dma_wait3A_461 = tpu.memref_squeeze %dma_wait3A_460 : memref<1x50x500xf32, #tpu.memory_space<hbm>> -> memref<50x500xf32, #tpu.memory_space<hbm>>
    %dma_wait3A_462 = arith.constant 0 : i32
    %dma_wait3A_463 = arith.constant 0 : i32
    %dma_wait3A_464 = tpu.memref_slice %arg4[%dma_wait3A_453, %dma_wait3A_462, %dma_wait3A_463] : memref<2x50x500xf32, #tpu.memory_space<vmem>> -> memref<1x50x500xf32, #tpu.memory_space<vmem>>
    %dma_wait3A_465 = tpu.memref_squeeze %dma_wait3A_464 : memref<1x50x500xf32, #tpu.memory_space<vmem>> -> memref<50x500xf32, #tpu.memory_space<vmem>>
    %dma_wait3A_466 = arith.constant 0 : i32
    %dma_wait3A_467 = arith.constant 0 : i32
    %dma_wait3A_468 = tpu.memref_slice %arg2[%add3A_389, %dma_wait3A_466, %dma_wait3A_467] : memref<1024x50x500xf32, #tpu.memory_space<hbm>> -> memref<1x50x500xf32, #tpu.memory_space<hbm>>
    %dma_wait3A_469 = tpu.memref_squeeze %dma_wait3A_468 : memref<1x50x500xf32, #tpu.memory_space<hbm>> -> memref<50x500xf32, #tpu.memory_space<hbm>>
    tpu.wait_dma2 semaphore(%arg7 : memref<!tpu.dma_semaphore, #tpu.memory_space<semaphore_mem>>) src(%dma_wait3A_469 : memref<50x500xf32, #tpu.memory_space<hbm>>) dst(%dma_wait3A_465 : memref<50x500xf32, #tpu.memory_space<vmem>>)
    %get3A_470 = arith.constant 1 : i32
    %get3A_471 = arith.constant 0 : i32
    %get3A_472 = arith.index_cast %get3A_470 : i32 to index
    %get3A_473 = arith.index_cast %get3A_471 : i32 to index
    %get3A_474 = arith.constant 0 : index
    %get3A_475 = tpu.vector_load %arg4[%get3A_472, %get3A_473, %get3A_474] {strides = array<i32>} : memref<2x50x500xf32, #tpu.memory_space<vmem>>, vector<1x1x16xf32>,
    %get3A_476 = vector.shape_cast %get3A_475 : vector<1x1x16xf32> to vector<16xf32>
    %add3A_477 = arith.addf %add3A_431, %get3A_476 : vector<16xf32>
    %add3A_478 = arith.constant 10 : i32
    %add3A_479 = arith.addi %mul3A_2, %add3A_478 : i32
    %add3A_480 = arith.constant 1 : i32
    %add3A_481 = arith.addi %add3A_479, %add3A_480 : i32
    %dma_start3A_482 = arith.constant 1 : i32
    %dma_start3A_483 = arith.constant 0 : i32
    %dma_start3A_484 = arith.constant 0 : i32
    %dma_start3A_485 = tpu.memref_slice %arg4[%dma_start3A_482, %dma_start3A_483, %dma_start3A_484] : memref<2x50x500xf32, #tpu.memory_space<vmem>> -> memref<1x50x500xf32, #tpu.memory_space<vmem>>
    %dma_start3A_486 = tpu.memref_squeeze %dma_start3A_485 : memref<1x50x500xf32, #tpu.memory_space<vmem>> -> memref<50x500xf32, #tpu.memory_space<vmem>>
    %dma_start3A_487 = arith.constant 0 : i32
    %dma_start3A_488 = arith.constant 0 : i32
    %dma_start3A_489 = tpu.memref_slice %arg2[%add3A_481, %dma_start3A_487, %dma_start3A_488] : memref<1024x50x500xf32, #tpu.memory_space<hbm>> -> memref<1x50x500xf32, #tpu.memory_space<hbm>>
    %dma_start3A_490 = tpu.memref_squeeze %dma_start3A_489 : memref<1x50x500xf32, #tpu.memory_space<hbm>> -> memref<50x500xf32, #tpu.memory_space<hbm>>
    %dma_start3A_491 = arith.constant 0 : i32
    %dma_start3A_492 = arith.constant 0 : i32
    %dma_start3A_493 = tpu.memref_slice %arg4[%dma_start3A_482, %dma_start3A_491, %dma_start3A_492] : memref<2x50x500xf32, #tpu.memory_space<vmem>> -> memref<1x50x500xf32, #tpu.memory_space<vmem>>
    %dma_start3A_494 = tpu.memref_squeeze %dma_start3A_493 : memref<1x50x500xf32, #tpu.memory_space<vmem>> -> memref<50x500xf32, #tpu.memory_space<vmem>>
    %dma_start3A_495 = arith.constant 0 : i32
    %dma_start3A_496 = arith.constant 0 : i32
    %dma_start3A_497 = tpu.memref_slice %arg2[%add3A_481, %dma_start3A_495, %dma_start3A_496] : memref<1024x50x500xf32, #tpu.memory_space<hbm>> -> memref<1x50x500xf32, #tpu.memory_space<hbm>>
    %dma_start3A_498 = tpu.memref_squeeze %dma_start3A_497 : memref<1x50x500xf32, #tpu.memory_space<hbm>> -> memref<50x500xf32, #tpu.memory_space<hbm>>
    tpu.enqueue_dma source(%dma_start3A_498 : memref<50x500xf32, #tpu.memory_space<hbm>>) target(%dma_start3A_494 : memref<50x500xf32, #tpu.memory_space<vmem>>) target_semaphore(%arg7 : memref<!tpu.dma_semaphore, #tpu.memory_space<semaphore_mem>>)
    %dma_wait3A_499 = arith.constant 0 : i32
    %dma_wait3A_500 = arith.constant 0 : i32
    %dma_wait3A_501 = arith.constant 0 : i32
    %dma_wait3A_502 = tpu.memref_slice %arg4[%dma_wait3A_499, %dma_wait3A_500, %dma_wait3A_501] : memref<2x50x500xf32, #tpu.memory_space<vmem>> -> memref<1x50x500xf32, #tpu.memory_space<vmem>>
    %dma_wait3A_503 = tpu.memref_squeeze %dma_wait3A_502 : memref<1x50x500xf32, #tpu.memory_space<vmem>> -> memref<50x500xf32, #tpu.memory_space<vmem>>
    %dma_wait3A_504 = arith.constant 0 : i32
    %dma_wait3A_505 = arith.constant 0 : i32
    %dma_wait3A_506 = tpu.memref_slice %arg2[%add3A_435, %dma_wait3A_504, %dma_wait3A_505] : memref<1024x50x500xf32, #tpu.memory_space<hbm>> -> memref<1x50x500xf32, #tpu.memory_space<hbm>>
    %dma_wait3A_507 = tpu.memref_squeeze %dma_wait3A_506 : memref<1x50x500xf32, #tpu.memory_space<hbm>> -> memref<50x500xf32, #tpu.memory_space<hbm>>
    %dma_wait3A_508 = arith.constant 0 : i32
    %dma_wait3A_509 = arith.constant 0 : i32
    %dma_wait3A_510 = tpu.memref_slice %arg4[%dma_wait3A_499, %dma_wait3A_508, %dma_wait3A_509] : memref<2x50x500xf32, #tpu.memory_space<vmem>> -> memref<1x50x500xf32, #tpu.memory_space<vmem>>
    %dma_wait3A_511 = tpu.memref_squeeze %dma_wait3A_510 : memref<1x50x500xf32, #tpu.memory_space<vmem>> -> memref<50x500xf32, #tpu.memory_space<vmem>>
    %dma_wait3A_512 = arith.constant 0 : i32
    %dma_wait3A_513 = arith.constant 0 : i32
    %dma_wait3A_514 = tpu.memref_slice %arg2[%add3A_435, %dma_wait3A_512, %dma_wait3A_513] : memref<1024x50x500xf32, #tpu.memory_space<hbm>> -> memref<1x50x500xf32, #tpu.memory_space<hbm>>
    %dma_wait3A_515 = tpu.memref_squeeze %dma_wait3A_514 : memref<1x50x500xf32, #tpu.memory_space<hbm>> -> memref<50x500xf32, #tpu.memory_space<hbm>>
    tpu.wait_dma2 semaphore(%arg6 : memref<!tpu.dma_semaphore, #tpu.memory_space<semaphore_mem>>) src(%dma_wait3A_515 : memref<50x500xf32, #tpu.memory_space<hbm>>) dst(%dma_wait3A_511 : memref<50x500xf32, #tpu.memory_space<vmem>>)
    %get3A_516 = arith.constant 0 : i32
    %get3A_517 = arith.constant 0 : i32
    %get3A_518 = arith.index_cast %get3A_516 : i32 to index
    %get3A_519 = arith.index_cast %get3A_517 : i32 to index
    %get3A_520 = arith.constant 0 : index
    %get3A_521 = tpu.vector_load %arg4[%get3A_518, %get3A_519, %get3A_520] {strides = array<i32>} : memref<2x50x500xf32, #tpu.memory_space<vmem>>, vector<1x1x16xf32>,
    %get3A_522 = vector.shape_cast %get3A_521 : vector<1x1x16xf32> to vector<16xf32>
    %add3A_523 = arith.addf %add3A_477, %get3A_522 : vector<16xf32>
    %add3A_524 = arith.constant 11 : i32
    %add3A_525 = arith.addi %mul3A_2, %add3A_524 : i32
    %add3A_526 = arith.constant 1 : i32
    %add3A_527 = arith.addi %add3A_525, %add3A_526 : i32
    %dma_start3A_528 = arith.constant 0 : i32
    %dma_start3A_529 = arith.constant 0 : i32
    %dma_start3A_530 = arith.constant 0 : i32
    %dma_start3A_531 = tpu.memref_slice %arg4[%dma_start3A_528, %dma_start3A_529, %dma_start3A_530] : memref<2x50x500xf32, #tpu.memory_space<vmem>> -> memref<1x50x500xf32, #tpu.memory_space<vmem>>
    %dma_start3A_532 = tpu.memref_squeeze %dma_start3A_531 : memref<1x50x500xf32, #tpu.memory_space<vmem>> -> memref<50x500xf32, #tpu.memory_space<vmem>>
    %dma_start3A_533 = arith.constant 0 : i32
    %dma_start3A_534 = arith.constant 0 : i32
    %dma_start3A_535 = tpu.memref_slice %arg2[%add3A_527, %dma_start3A_533, %dma_start3A_534] : memref<1024x50x500xf32, #tpu.memory_space<hbm>> -> memref<1x50x500xf32, #tpu.memory_space<hbm>>
    %dma_start3A_536 = tpu.memref_squeeze %dma_start3A_535 : memref<1x50x500xf32, #tpu.memory_space<hbm>> -> memref<50x500xf32, #tpu.memory_space<hbm>>
    %dma_start3A_537 = arith.constant 0 : i32
    %dma_start3A_538 = arith.constant 0 : i32
    %dma_start3A_539 = tpu.memref_slice %arg4[%dma_start3A_528, %dma_start3A_537, %dma_start3A_538] : memref<2x50x500xf32, #tpu.memory_space<vmem>> -> memref<1x50x500xf32, #tpu.memory_space<vmem>>
    %dma_start3A_540 = tpu.memref_squeeze %dma_start3A_539 : memref<1x50x500xf32, #tpu.memory_space<vmem>> -> memref<50x500xf32, #tpu.memory_space<vmem>>
    %dma_start3A_541 = arith.constant 0 : i32
    %dma_start3A_542 = arith.constant 0 : i32
    %dma_start3A_543 = tpu.memref_slice %arg2[%add3A_527, %dma_start3A_541, %dma_start3A_542] : memref<1024x50x500xf32, #tpu.memory_space<hbm>> -> memref<1x50x500xf32, #tpu.memory_space<hbm>>
    %dma_start3A_544 = tpu.memref_squeeze %dma_start3A_543 : memref<1x50x500xf32, #tpu.memory_space<hbm>> -> memref<50x500xf32, #tpu.memory_space<hbm>>
    tpu.enqueue_dma source(%dma_start3A_544 : memref<50x500xf32, #tpu.memory_space<hbm>>) target(%dma_start3A_540 : memref<50x500xf32, #tpu.memory_space<vmem>>) target_semaphore(%arg6 : memref<!tpu.dma_semaphore, #tpu.memory_space<semaphore_mem>>)
    %dma_wait3A_545 = arith.constant 1 : i32
    %dma_wait3A_546 = arith.constant 0 : i32
    %dma_wait3A_547 = arith.constant 0 : i32
    %dma_wait3A_548 = tpu.memref_slice %arg4[%dma_wait3A_545, %dma_wait3A_546, %dma_wait3A_547] : memref<2x50x500xf32, #tpu.memory_space<vmem>> -> memref<1x50x500xf32, #tpu.memory_space<vmem>>
    %dma_wait3A_549 = tpu.memref_squeeze %dma_wait3A_548 : memref<1x50x500xf32, #tpu.memory_space<vmem>> -> memref<50x500xf32, #tpu.memory_space<vmem>>
    %dma_wait3A_550 = arith.constant 0 : i32
    %dma_wait3A_551 = arith.constant 0 : i32
    %dma_wait3A_552 = tpu.memref_slice %arg2[%add3A_481, %dma_wait3A_550, %dma_wait3A_551] : memref<1024x50x500xf32, #tpu.memory_space<hbm>> -> memref<1x50x500xf32, #tpu.memory_space<hbm>>
    %dma_wait3A_553 = tpu.memref_squeeze %dma_wait3A_552 : memref<1x50x500xf32, #tpu.memory_space<hbm>> -> memref<50x500xf32, #tpu.memory_space<hbm>>
    %dma_wait3A_554 = arith.constant 0 : i32
    %dma_wait3A_555 = arith.constant 0 : i32
    %dma_wait3A_556 = tpu.memref_slice %arg4[%dma_wait3A_545, %dma_wait3A_554, %dma_wait3A_555] : memref<2x50x500xf32, #tpu.memory_space<vmem>> -> memref<1x50x500xf32, #tpu.memory_space<vmem>>
    %dma_wait3A_557 = tpu.memref_squeeze %dma_wait3A_556 : memref<1x50x500xf32, #tpu.memory_space<vmem>> -> memref<50x500xf32, #tpu.memory_space<vmem>>
    %dma_wait3A_558 = arith.constant 0 : i32
    %dma_wait3A_559 = arith.constant 0 : i32
    %dma_wait3A_560 = tpu.memref_slice %arg2[%add3A_481, %dma_wait3A_558, %dma_wait3A_559] : memref<1024x50x500xf32, #tpu.memory_space<hbm>> -> memref<1x50x500xf32, #tpu.memory_space<hbm>>
    %dma_wait3A_561 = tpu.memref_squeeze %dma_wait3A_560 : memref<1x50x500xf32, #tpu.memory_space<hbm>> -> memref<50x500xf32, #tpu.memory_space<hbm>>
    tpu.wait_dma2 semaphore(%arg7 : memref<!tpu.dma_semaphore, #tpu.memory_space<semaphore_mem>>) src(%dma_wait3A_561 : memref<50x500xf32, #tpu.memory_space<hbm>>) dst(%dma_wait3A_557 : memref<50x500xf32, #tpu.memory_space<vmem>>)
    %get3A_562 = arith.constant 1 : i32
    %get3A_563 = arith.constant 0 : i32
    %get3A_564 = arith.index_cast %get3A_562 : i32 to index
    %get3A_565 = arith.index_cast %get3A_563 : i32 to index
    %get3A_566 = arith.constant 0 : index
    %get3A_567 = tpu.vector_load %arg4[%get3A_564, %get3A_565, %get3A_566] {strides = array<i32>} : memref<2x50x500xf32, #tpu.memory_space<vmem>>, vector<1x1x16xf32>,
    %get3A_568 = vector.shape_cast %get3A_567 : vector<1x1x16xf32> to vector<16xf32>
    %add3A_569 = arith.addf %add3A_523, %get3A_568 : vector<16xf32>
    %add3A_570 = arith.constant 12 : i32
    %add3A_571 = arith.addi %mul3A_2, %add3A_570 : i32
    %add3A_572 = arith.constant 1 : i32
    %add3A_573 = arith.addi %add3A_571, %add3A_572 : i32
    %dma_start3A_574 = arith.constant 1 : i32
    %dma_start3A_575 = arith.constant 0 : i32
    %dma_start3A_576 = arith.constant 0 : i32
    %dma_start3A_577 = tpu.memref_slice %arg4[%dma_start3A_574, %dma_start3A_575, %dma_start3A_576] : memref<2x50x500xf32, #tpu.memory_space<vmem>> -> memref<1x50x500xf32, #tpu.memory_space<vmem>>
    %dma_start3A_578 = tpu.memref_squeeze %dma_start3A_577 : memref<1x50x500xf32, #tpu.memory_space<vmem>> -> memref<50x500xf32, #tpu.memory_space<vmem>>
    %dma_start3A_579 = arith.constant 0 : i32
    %dma_start3A_580 = arith.constant 0 : i32
    %dma_start3A_581 = tpu.memref_slice %arg2[%add3A_573, %dma_start3A_579, %dma_start3A_580] : memref<1024x50x500xf32, #tpu.memory_space<hbm>> -> memref<1x50x500xf32, #tpu.memory_space<hbm>>
    %dma_start3A_582 = tpu.memref_squeeze %dma_start3A_581 : memref<1x50x500xf32, #tpu.memory_space<hbm>> -> memref<50x500xf32, #tpu.memory_space<hbm>>
    %dma_start3A_583 = arith.constant 0 : i32
    %dma_start3A_584 = arith.constant 0 : i32
    %dma_start3A_585 = tpu.memref_slice %arg4[%dma_start3A_574, %dma_start3A_583, %dma_start3A_584] : memref<2x50x500xf32, #tpu.memory_space<vmem>> -> memref<1x50x500xf32, #tpu.memory_space<vmem>>
    %dma_start3A_586 = tpu.memref_squeeze %dma_start3A_585 : memref<1x50x500xf32, #tpu.memory_space<vmem>> -> memref<50x500xf32, #tpu.memory_space<vmem>>
    %dma_start3A_587 = arith.constant 0 : i32
    %dma_start3A_588 = arith.constant 0 : i32
    %dma_start3A_589 = tpu.memref_slice %arg2[%add3A_573, %dma_start3A_587, %dma_start3A_588] : memref<1024x50x500xf32, #tpu.memory_space<hbm>> -> memref<1x50x500xf32, #tpu.memory_space<hbm>>
    %dma_start3A_590 = tpu.memref_squeeze %dma_start3A_589 : memref<1x50x500xf32, #tpu.memory_space<hbm>> -> memref<50x500xf32, #tpu.memory_space<hbm>>
    tpu.enqueue_dma source(%dma_start3A_590 : memref<50x500xf32, #tpu.memory_space<hbm>>) target(%dma_start3A_586 : memref<50x500xf32, #tpu.memory_space<vmem>>) target_semaphore(%arg7 : memref<!tpu.dma_semaphore, #tpu.memory_space<semaphore_mem>>)
    %dma_wait3A_591 = arith.constant 0 : i32
    %dma_wait3A_592 = arith.constant 0 : i32
    %dma_wait3A_593 = arith.constant 0 : i32
    %dma_wait3A_594 = tpu.memref_slice %arg4[%dma_wait3A_591, %dma_wait3A_592, %dma_wait3A_593] : memref<2x50x500xf32, #tpu.memory_space<vmem>> -> memref<1x50x500xf32, #tpu.memory_space<vmem>>
    %dma_wait3A_595 = tpu.memref_squeeze %dma_wait3A_594 : memref<1x50x500xf32, #tpu.memory_space<vmem>> -> memref<50x500xf32, #tpu.memory_space<vmem>>
    %dma_wait3A_596 = arith.constant 0 : i32
    %dma_wait3A_597 = arith.constant 0 : i32
    %dma_wait3A_598 = tpu.memref_slice %arg2[%add3A_527, %dma_wait3A_596, %dma_wait3A_597] : memref<1024x50x500xf32, #tpu.memory_space<hbm>> -> memref<1x50x500xf32, #tpu.memory_space<hbm>>
    %dma_wait3A_599 = tpu.memref_squeeze %dma_wait3A_598 : memref<1x50x500xf32, #tpu.memory_space<hbm>> -> memref<50x500xf32, #tpu.memory_space<hbm>>
    %dma_wait3A_600 = arith.constant 0 : i32
    %dma_wait3A_601 = arith.constant 0 : i32
    %dma_wait3A_602 = tpu.memref_slice %arg4[%dma_wait3A_591, %dma_wait3A_600, %dma_wait3A_601] : memref<2x50x500xf32, #tpu.memory_space<vmem>> -> memref<1x50x500xf32, #tpu.memory_space<vmem>>
    %dma_wait3A_603 = tpu.memref_squeeze %dma_wait3A_602 : memref<1x50x500xf32, #tpu.memory_space<vmem>> -> memref<50x500xf32, #tpu.memory_space<vmem>>
    %dma_wait3A_604 = arith.constant 0 : i32
    %dma_wait3A_605 = arith.constant 0 : i32
    %dma_wait3A_606 = tpu.memref_slice %arg2[%add3A_527, %dma_wait3A_604, %dma_wait3A_605] : memref<1024x50x500xf32, #tpu.memory_space<hbm>> -> memref<1x50x500xf32, #tpu.memory_space<hbm>>
    %dma_wait3A_607 = tpu.memref_squeeze %dma_wait3A_606 : memref<1x50x500xf32, #tpu.memory_space<hbm>> -> memref<50x500xf32, #tpu.memory_space<hbm>>
    tpu.wait_dma2 semaphore(%arg6 : memref<!tpu.dma_semaphore, #tpu.memory_space<semaphore_mem>>) src(%dma_wait3A_607 : memref<50x500xf32, #tpu.memory_space<hbm>>) dst(%dma_wait3A_603 : memref<50x500xf32, #tpu.memory_space<vmem>>)
    %get3A_608 = arith.constant 0 : i32
    %get3A_609 = arith.constant 0 : i32
    %get3A_610 = arith.index_cast %get3A_608 : i32 to index
    %get3A_611 = arith.index_cast %get3A_609 : i32 to index
    %get3A_612 = arith.constant 0 : index
    %get3A_613 = tpu.vector_load %arg4[%get3A_610, %get3A_611, %get3A_612] {strides = array<i32>} : memref<2x50x500xf32, #tpu.memory_space<vmem>>, vector<1x1x16xf32>,
    %get3A_614 = vector.shape_cast %get3A_613 : vector<1x1x16xf32> to vector<16xf32>
    %add3A_615 = arith.addf %add3A_569, %get3A_614 : vector<16xf32>
    %add3A_616 = arith.constant 13 : i32
    %add3A_617 = arith.addi %mul3A_2, %add3A_616 : i32
    %add3A_618 = arith.constant 1 : i32
    %add3A_619 = arith.addi %add3A_617, %add3A_618 : i32
    %dma_start3A_620 = arith.constant 0 : i32
    %dma_start3A_621 = arith.constant 0 : i32
    %dma_start3A_622 = arith.constant 0 : i32
    %dma_start3A_623 = tpu.memref_slice %arg4[%dma_start3A_620, %dma_start3A_621, %dma_start3A_622] : memref<2x50x500xf32, #tpu.memory_space<vmem>> -> memref<1x50x500xf32, #tpu.memory_space<vmem>>
    %dma_start3A_624 = tpu.memref_squeeze %dma_start3A_623 : memref<1x50x500xf32, #tpu.memory_space<vmem>> -> memref<50x500xf32, #tpu.memory_space<vmem>>
    %dma_start3A_625 = arith.constant 0 : i32
    %dma_start3A_626 = arith.constant 0 : i32
    %dma_start3A_627 = tpu.memref_slice %arg2[%add3A_619, %dma_start3A_625, %dma_start3A_626] : memref<1024x50x500xf32, #tpu.memory_space<hbm>> -> memref<1x50x500xf32, #tpu.memory_space<hbm>>
    %dma_start3A_628 = tpu.memref_squeeze %dma_start3A_627 : memref<1x50x500xf32, #tpu.memory_space<hbm>> -> memref<50x500xf32, #tpu.memory_space<hbm>>
    %dma_start3A_629 = arith.constant 0 : i32
    %dma_start3A_630 = arith.constant 0 : i32
    %dma_start3A_631 = tpu.memref_slice %arg4[%dma_start3A_620, %dma_start3A_629, %dma_start3A_630] : memref<2x50x500xf32, #tpu.memory_space<vmem>> -> memref<1x50x500xf32, #tpu.memory_space<vmem>>
    %dma_start3A_632 = tpu.memref_squeeze %dma_start3A_631 : memref<1x50x500xf32, #tpu.memory_space<vmem>> -> memref<50x500xf32, #tpu.memory_space<vmem>>
    %dma_start3A_633 = arith.constant 0 : i32
    %dma_start3A_634 = arith.constant 0 : i32
    %dma_start3A_635 = tpu.memref_slice %arg2[%add3A_619, %dma_start3A_633, %dma_start3A_634] : memref<1024x50x500xf32, #tpu.memory_space<hbm>> -> memref<1x50x500xf32, #tpu.memory_space<hbm>>
    %dma_start3A_636 = tpu.memref_squeeze %dma_start3A_635 : memref<1x50x500xf32, #tpu.memory_space<hbm>> -> memref<50x500xf32, #tpu.memory_space<hbm>>
    tpu.enqueue_dma source(%dma_start3A_636 : memref<50x500xf32, #tpu.memory_space<hbm>>) target(%dma_start3A_632 : memref<50x500xf32, #tpu.memory_space<vmem>>) target_semaphore(%arg6 : memref<!tpu.dma_semaphore, #tpu.memory_space<semaphore_mem>>)
    %dma_wait3A_637 = arith.constant 1 : i32
    %dma_wait3A_638 = arith.constant 0 : i32
    %dma_wait3A_639 = arith.constant 0 : i32
    %dma_wait3A_640 = tpu.memref_slice %arg4[%dma_wait3A_637, %dma_wait3A_638, %dma_wait3A_639] : memref<2x50x500xf32, #tpu.memory_space<vmem>> -> memref<1x50x500xf32, #tpu.memory_space<vmem>>
    %dma_wait3A_641 = tpu.memref_squeeze %dma_wait3A_640 : memref<1x50x500xf32, #tpu.memory_space<vmem>> -> memref<50x500xf32, #tpu.memory_space<vmem>>
    %dma_wait3A_642 = arith.constant 0 : i32
    %dma_wait3A_643 = arith.constant 0 : i32
    %dma_wait3A_644 = tpu.memref_slice %arg2[%add3A_573, %dma_wait3A_642, %dma_wait3A_643] : memref<1024x50x500xf32, #tpu.memory_space<hbm>> -> memref<1x50x500xf32, #tpu.memory_space<hbm>>
    %dma_wait3A_645 = tpu.memref_squeeze %dma_wait3A_644 : memref<1x50x500xf32, #tpu.memory_space<hbm>> -> memref<50x500xf32, #tpu.memory_space<hbm>>
    %dma_wait3A_646 = arith.constant 0 : i32
    %dma_wait3A_647 = arith.constant 0 : i32
    %dma_wait3A_648 = tpu.memref_slice %arg4[%dma_wait3A_637, %dma_wait3A_646, %dma_wait3A_647] : memref<2x50x500xf32, #tpu.memory_space<vmem>> -> memref<1x50x500xf32, #tpu.memory_space<vmem>>
    %dma_wait3A_649 = tpu.memref_squeeze %dma_wait3A_648 : memref<1x50x500xf32, #tpu.memory_space<vmem>> -> memref<50x500xf32, #tpu.memory_space<vmem>>
    %dma_wait3A_650 = arith.constant 0 : i32
    %dma_wait3A_651 = arith.constant 0 : i32
    %dma_wait3A_652 = tpu.memref_slice %arg2[%add3A_573, %dma_wait3A_650, %dma_wait3A_651] : memref<1024x50x500xf32, #tpu.memory_space<hbm>> -> memref<1x50x500xf32, #tpu.memory_space<hbm>>
    %dma_wait3A_653 = tpu.memref_squeeze %dma_wait3A_652 : memref<1x50x500xf32, #tpu.memory_space<hbm>> -> memref<50x500xf32, #tpu.memory_space<hbm>>
    tpu.wait_dma2 semaphore(%arg7 : memref<!tpu.dma_semaphore, #tpu.memory_space<semaphore_mem>>) src(%dma_wait3A_653 : memref<50x500xf32, #tpu.memory_space<hbm>>) dst(%dma_wait3A_649 : memref<50x500xf32, #tpu.memory_space<vmem>>)
    %get3A_654 = arith.constant 1 : i32
    %get3A_655 = arith.constant 0 : i32
    %get3A_656 = arith.index_cast %get3A_654 : i32 to index
    %get3A_657 = arith.index_cast %get3A_655 : i32 to index
    %get3A_658 = arith.constant 0 : index
    %get3A_659 = tpu.vector_load %arg4[%get3A_656, %get3A_657, %get3A_658] {strides = array<i32>} : memref<2x50x500xf32, #tpu.memory_space<vmem>>, vector<1x1x16xf32>,
    %get3A_660 = vector.shape_cast %get3A_659 : vector<1x1x16xf32> to vector<16xf32>
    %add3A_661 = arith.addf %add3A_615, %get3A_660 : vector<16xf32>
    %add3A_662 = arith.constant 14 : i32
    %add3A_663 = arith.addi %mul3A_2, %add3A_662 : i32
    %add3A_664 = arith.constant 1 : i32
    %add3A_665 = arith.addi %add3A_663, %add3A_664 : i32
    %dma_start3A_666 = arith.constant 1 : i32
    %dma_start3A_667 = arith.constant 0 : i32
    %dma_start3A_668 = arith.constant 0 : i32
    %dma_start3A_669 = tpu.memref_slice %arg4[%dma_start3A_666, %dma_start3A_667, %dma_start3A_668] : memref<2x50x500xf32, #tpu.memory_space<vmem>> -> memref<1x50x500xf32, #tpu.memory_space<vmem>>
    %dma_start3A_670 = tpu.memref_squeeze %dma_start3A_669 : memref<1x50x500xf32, #tpu.memory_space<vmem>> -> memref<50x500xf32, #tpu.memory_space<vmem>>
    %dma_start3A_671 = arith.constant 0 : i32
    %dma_start3A_672 = arith.constant 0 : i32
    %dma_start3A_673 = tpu.memref_slice %arg2[%add3A_665, %dma_start3A_671, %dma_start3A_672] : memref<1024x50x500xf32, #tpu.memory_space<hbm>> -> memref<1x50x500xf32, #tpu.memory_space<hbm>>
    %dma_start3A_674 = tpu.memref_squeeze %dma_start3A_673 : memref<1x50x500xf32, #tpu.memory_space<hbm>> -> memref<50x500xf32, #tpu.memory_space<hbm>>
    %dma_start3A_675 = arith.constant 0 : i32
    %dma_start3A_676 = arith.constant 0 : i32
    %dma_start3A_677 = tpu.memref_slice %arg4[%dma_start3A_666, %dma_start3A_675, %dma_start3A_676] : memref<2x50x500xf32, #tpu.memory_space<vmem>> -> memref<1x50x500xf32, #tpu.memory_space<vmem>>
    %dma_start3A_678 = tpu.memref_squeeze %dma_start3A_677 : memref<1x50x500xf32, #tpu.memory_space<vmem>> -> memref<50x500xf32, #tpu.memory_space<vmem>>
    %dma_start3A_679 = arith.constant 0 : i32
    %dma_start3A_680 = arith.constant 0 : i32
    %dma_start3A_681 = tpu.memref_slice %arg2[%add3A_665, %dma_start3A_679, %dma_start3A_680] : memref<1024x50x500xf32, #tpu.memory_space<hbm>> -> memref<1x50x500xf32, #tpu.memory_space<hbm>>
    %dma_start3A_682 = tpu.memref_squeeze %dma_start3A_681 : memref<1x50x500xf32, #tpu.memory_space<hbm>> -> memref<50x500xf32, #tpu.memory_space<hbm>>
    tpu.enqueue_dma source(%dma_start3A_682 : memref<50x500xf32, #tpu.memory_space<hbm>>) target(%dma_start3A_678 : memref<50x500xf32, #tpu.memory_space<vmem>>) target_semaphore(%arg7 : memref<!tpu.dma_semaphore, #tpu.memory_space<semaphore_mem>>)
    %dma_wait3A_683 = arith.constant 0 : i32
    %dma_wait3A_684 = arith.constant 0 : i32
    %dma_wait3A_685 = arith.constant 0 : i32
    %dma_wait3A_686 = tpu.memref_slice %arg4[%dma_wait3A_683, %dma_wait3A_684, %dma_wait3A_685] : memref<2x50x500xf32, #tpu.memory_space<vmem>> -> memref<1x50x500xf32, #tpu.memory_space<vmem>>
    %dma_wait3A_687 = tpu.memref_squeeze %dma_wait3A_686 : memref<1x50x500xf32, #tpu.memory_space<vmem>> -> memref<50x500xf32, #tpu.memory_space<vmem>>
    %dma_wait3A_688 = arith.constant 0 : i32
    %dma_wait3A_689 = arith.constant 0 : i32
    %dma_wait3A_690 = tpu.memref_slice %arg2[%add3A_619, %dma_wait3A_688, %dma_wait3A_689] : memref<1024x50x500xf32, #tpu.memory_space<hbm>> -> memref<1x50x500xf32, #tpu.memory_space<hbm>>
    %dma_wait3A_691 = tpu.memref_squeeze %dma_wait3A_690 : memref<1x50x500xf32, #tpu.memory_space<hbm>> -> memref<50x500xf32, #tpu.memory_space<hbm>>
    %dma_wait3A_692 = arith.constant 0 : i32
    %dma_wait3A_693 = arith.constant 0 : i32
    %dma_wait3A_694 = tpu.memref_slice %arg4[%dma_wait3A_683, %dma_wait3A_692, %dma_wait3A_693] : memref<2x50x500xf32, #tpu.memory_space<vmem>> -> memref<1x50x500xf32, #tpu.memory_space<vmem>>
    %dma_wait3A_695 = tpu.memref_squeeze %dma_wait3A_694 : memref<1x50x500xf32, #tpu.memory_space<vmem>> -> memref<50x500xf32, #tpu.memory_space<vmem>>
    %dma_wait3A_696 = arith.constant 0 : i32
    %dma_wait3A_697 = arith.constant 0 : i32
    %dma_wait3A_698 = tpu.memref_slice %arg2[%add3A_619, %dma_wait3A_696, %dma_wait3A_697] : memref<1024x50x500xf32, #tpu.memory_space<hbm>> -> memref<1x50x500xf32, #tpu.memory_space<hbm>>
    %dma_wait3A_699 = tpu.memref_squeeze %dma_wait3A_698 : memref<1x50x500xf32, #tpu.memory_space<hbm>> -> memref<50x500xf32, #tpu.memory_space<hbm>>
    tpu.wait_dma2 semaphore(%arg6 : memref<!tpu.dma_semaphore, #tpu.memory_space<semaphore_mem>>) src(%dma_wait3A_699 : memref<50x500xf32, #tpu.memory_space<hbm>>) dst(%dma_wait3A_695 : memref<50x500xf32, #tpu.memory_space<vmem>>)
    %get3A_700 = arith.constant 0 : i32
    %get3A_701 = arith.constant 0 : i32
    %get3A_702 = arith.index_cast %get3A_700 : i32 to index
    %get3A_703 = arith.index_cast %get3A_701 : i32 to index
    %get3A_704 = arith.constant 0 : index
    %get3A_705 = tpu.vector_load %arg4[%get3A_702, %get3A_703, %get3A_704] {strides = array<i32>} : memref<2x50x500xf32, #tpu.memory_space<vmem>>, vector<1x1x16xf32>,
    %get3A_706 = vector.shape_cast %get3A_705 : vector<1x1x16xf32> to vector<16xf32>
    %add3A_707 = arith.addf %add3A_661, %get3A_706 : vector<16xf32>
    %add3A_708 = arith.constant 15 : i32
    %add3A_709 = arith.addi %mul3A_2, %add3A_708 : i32
    %add3A_710 = arith.constant 1 : i32
    %add3A_711 = arith.addi %add3A_709, %add3A_710 : i32
    %dma_start3A_712 = arith.constant 0 : i32
    %dma_start3A_713 = arith.constant 0 : i32
    %dma_start3A_714 = arith.constant 0 : i32
    %dma_start3A_715 = tpu.memref_slice %arg4[%dma_start3A_712, %dma_start3A_713, %dma_start3A_714] : memref<2x50x500xf32, #tpu.memory_space<vmem>> -> memref<1x50x500xf32, #tpu.memory_space<vmem>>
    %dma_start3A_716 = tpu.memref_squeeze %dma_start3A_715 : memref<1x50x500xf32, #tpu.memory_space<vmem>> -> memref<50x500xf32, #tpu.memory_space<vmem>>
    %dma_start3A_717 = arith.constant 0 : i32
    %dma_start3A_718 = arith.constant 0 : i32
    %dma_start3A_719 = tpu.memref_slice %arg2[%add3A_711, %dma_start3A_717, %dma_start3A_718] : memref<1024x50x500xf32, #tpu.memory_space<hbm>> -> memref<1x50x500xf32, #tpu.memory_space<hbm>>
    %dma_start3A_720 = tpu.memref_squeeze %dma_start3A_719 : memref<1x50x500xf32, #tpu.memory_space<hbm>> -> memref<50x500xf32, #tpu.memory_space<hbm>>
    %dma_start3A_721 = arith.constant 0 : i32
    %dma_start3A_722 = arith.constant 0 : i32
    %dma_start3A_723 = tpu.memref_slice %arg4[%dma_start3A_712, %dma_start3A_721, %dma_start3A_722] : memref<2x50x500xf32, #tpu.memory_space<vmem>> -> memref<1x50x500xf32, #tpu.memory_space<vmem>>
    %dma_start3A_724 = tpu.memref_squeeze %dma_start3A_723 : memref<1x50x500xf32, #tpu.memory_space<vmem>> -> memref<50x500xf32, #tpu.memory_space<vmem>>
    %dma_start3A_725 = arith.constant 0 : i32
    %dma_start3A_726 = arith.constant 0 : i32
    %dma_start3A_727 = tpu.memref_slice %arg2[%add3A_711, %dma_start3A_725, %dma_start3A_726] : memref<1024x50x500xf32, #tpu.memory_space<hbm>> -> memref<1x50x500xf32, #tpu.memory_space<hbm>>
    %dma_start3A_728 = tpu.memref_squeeze %dma_start3A_727 : memref<1x50x500xf32, #tpu.memory_space<hbm>> -> memref<50x500xf32, #tpu.memory_space<hbm>>
    tpu.enqueue_dma source(%dma_start3A_728 : memref<50x500xf32, #tpu.memory_space<hbm>>) target(%dma_start3A_724 : memref<50x500xf32, #tpu.memory_space<vmem>>) target_semaphore(%arg6 : memref<!tpu.dma_semaphore, #tpu.memory_space<semaphore_mem>>)
    %dma_wait3A_729 = arith.constant 1 : i32
    %dma_wait3A_730 = arith.constant 0 : i32
    %dma_wait3A_731 = arith.constant 0 : i32
    %dma_wait3A_732 = tpu.memref_slice %arg4[%dma_wait3A_729, %dma_wait3A_730, %dma_wait3A_731] : memref<2x50x500xf32, #tpu.memory_space<vmem>> -> memref<1x50x500xf32, #tpu.memory_space<vmem>>
    %dma_wait3A_733 = tpu.memref_squeeze %dma_wait3A_732 : memref<1x50x500xf32, #tpu.memory_space<vmem>> -> memref<50x500xf32, #tpu.memory_space<vmem>>
    %dma_wait3A_734 = arith.constant 0 : i32
    %dma_wait3A_735 = arith.constant 0 : i32
    %dma_wait3A_736 = tpu.memref_slice %arg2[%add3A_665, %dma_wait3A_734, %dma_wait3A_735] : memref<1024x50x500xf32, #tpu.memory_space<hbm>> -> memref<1x50x500xf32, #tpu.memory_space<hbm>>
    %dma_wait3A_737 = tpu.memref_squeeze %dma_wait3A_736 : memref<1x50x500xf32, #tpu.memory_space<hbm>> -> memref<50x500xf32, #tpu.memory_space<hbm>>
    %dma_wait3A_738 = arith.constant 0 : i32
    %dma_wait3A_739 = arith.constant 0 : i32
    %dma_wait3A_740 = tpu.memref_slice %arg4[%dma_wait3A_729, %dma_wait3A_738, %dma_wait3A_739] : memref<2x50x500xf32, #tpu.memory_space<vmem>> -> memref<1x50x500xf32, #tpu.memory_space<vmem>>
    %dma_wait3A_741 = tpu.memref_squeeze %dma_wait3A_740 : memref<1x50x500xf32, #tpu.memory_space<vmem>> -> memref<50x500xf32, #tpu.memory_space<vmem>>
    %dma_wait3A_742 = arith.constant 0 : i32
    %dma_wait3A_743 = arith.constant 0 : i32
    %dma_wait3A_744 = tpu.memref_slice %arg2[%add3A_665, %dma_wait3A_742, %dma_wait3A_743] : memref<1024x50x500xf32, #tpu.memory_space<hbm>> -> memref<1x50x500xf32, #tpu.memory_space<hbm>>
    %dma_wait3A_745 = tpu.memref_squeeze %dma_wait3A_744 : memref<1x50x500xf32, #tpu.memory_space<hbm>> -> memref<50x500xf32, #tpu.memory_space<hbm>>
    tpu.wait_dma2 semaphore(%arg7 : memref<!tpu.dma_semaphore, #tpu.memory_space<semaphore_mem>>) src(%dma_wait3A_745 : memref<50x500xf32, #tpu.memory_space<hbm>>) dst(%dma_wait3A_741 : memref<50x500xf32, #tpu.memory_space<vmem>>)
    %get3A_746 = arith.constant 1 : i32
    %get3A_747 = arith.constant 0 : i32
    %get3A_748 = arith.index_cast %get3A_746 : i32 to index
    %get3A_749 = arith.index_cast %get3A_747 : i32 to index
    %get3A_750 = arith.constant 0 : index
    %get3A_751 = tpu.vector_load %arg4[%get3A_748, %get3A_749, %get3A_750] {strides = array<i32>} : memref<2x50x500xf32, #tpu.memory_space<vmem>>, vector<1x1x16xf32>,
    %get3A_752 = vector.shape_cast %get3A_751 : vector<1x1x16xf32> to vector<16xf32>
    %add3A_753 = arith.addf %add3A_707, %get3A_752 : vector<16xf32>
    %add3A_754 = arith.constant 16 : i32
    %add3A_755 = arith.addi %mul3A_2, %add3A_754 : i32
    %add3A_756 = arith.constant 1 : i32
    %add3A_757 = arith.addi %add3A_755, %add3A_756 : i32
    %dma_start3A_758 = arith.constant 1 : i32
    %dma_start3A_759 = arith.constant 0 : i32
    %dma_start3A_760 = arith.constant 0 : i32
    %dma_start3A_761 = tpu.memref_slice %arg4[%dma_start3A_758, %dma_start3A_759, %dma_start3A_760] : memref<2x50x500xf32, #tpu.memory_space<vmem>> -> memref<1x50x500xf32, #tpu.memory_space<vmem>>
    %dma_start3A_762 = tpu.memref_squeeze %dma_start3A_761 : memref<1x50x500xf32, #tpu.memory_space<vmem>> -> memref<50x500xf32, #tpu.memory_space<vmem>>
    %dma_start3A_763 = arith.constant 0 : i32
    %dma_start3A_764 = arith.constant 0 : i32
    %dma_start3A_765 = tpu.memref_slice %arg2[%add3A_757, %dma_start3A_763, %dma_start3A_764] : memref<1024x50x500xf32, #tpu.memory_space<hbm>> -> memref<1x50x500xf32, #tpu.memory_space<hbm>>
    %dma_start3A_766 = tpu.memref_squeeze %dma_start3A_765 : memref<1x50x500xf32, #tpu.memory_space<hbm>> -> memref<50x500xf32, #tpu.memory_space<hbm>>
    %dma_start3A_767 = arith.constant 0 : i32
    %dma_start3A_768 = arith.constant 0 : i32
    %dma_start3A_769 = tpu.memref_slice %arg4[%dma_start3A_758, %dma_start3A_767, %dma_start3A_768] : memref<2x50x500xf32, #tpu.memory_space<vmem>> -> memref<1x50x500xf32, #tpu.memory_space<vmem>>
    %dma_start3A_770 = tpu.memref_squeeze %dma_start3A_769 : memref<1x50x500xf32, #tpu.memory_space<vmem>> -> memref<50x500xf32, #tpu.memory_space<vmem>>
    %dma_start3A_771 = arith.constant 0 : i32
    %dma_start3A_772 = arith.constant 0 : i32
    %dma_start3A_773 = tpu.memref_slice %arg2[%add3A_757, %dma_start3A_771, %dma_start3A_772] : memref<1024x50x500xf32, #tpu.memory_space<hbm>> -> memref<1x50x500xf32, #tpu.memory_space<hbm>>
    %dma_start3A_774 = tpu.memref_squeeze %dma_start3A_773 : memref<1x50x500xf32, #tpu.memory_space<hbm>> -> memref<50x500xf32, #tpu.memory_space<hbm>>
    tpu.enqueue_dma source(%dma_start3A_774 : memref<50x500xf32, #tpu.memory_space<hbm>>) target(%dma_start3A_770 : memref<50x500xf32, #tpu.memory_space<vmem>>) target_semaphore(%arg7 : memref<!tpu.dma_semaphore, #tpu.memory_space<semaphore_mem>>)
    %dma_wait3A_775 = arith.constant 0 : i32
    %dma_wait3A_776 = arith.constant 0 : i32
    %dma_wait3A_777 = arith.constant 0 : i32
    %dma_wait3A_778 = tpu.memref_slice %arg4[%dma_wait3A_775, %dma_wait3A_776, %dma_wait3A_777] : memref<2x50x500xf32, #tpu.memory_space<vmem>> -> memref<1x50x500xf32, #tpu.memory_space<vmem>>
    %dma_wait3A_779 = tpu.memref_squeeze %dma_wait3A_778 : memref<1x50x500xf32, #tpu.memory_space<vmem>> -> memref<50x500xf32, #tpu.memory_space<vmem>>
    %dma_wait3A_780 = arith.constant 0 : i32
    %dma_wait3A_781 = arith.constant 0 : i32
    %dma_wait3A_782 = tpu.memref_slice %arg2[%add3A_711, %dma_wait3A_780, %dma_wait3A_781] : memref<1024x50x500xf32, #tpu.memory_space<hbm>> -> memref<1x50x500xf32, #tpu.memory_space<hbm>>
    %dma_wait3A_783 = tpu.memref_squeeze %dma_wait3A_782 : memref<1x50x500xf32, #tpu.memory_space<hbm>> -> memref<50x500xf32, #tpu.memory_space<hbm>>
    %dma_wait3A_784 = arith.constant 0 : i32
    %dma_wait3A_785 = arith.constant 0 : i32
    %dma_wait3A_786 = tpu.memref_slice %arg4[%dma_wait3A_775, %dma_wait3A_784, %dma_wait3A_785] : memref<2x50x500xf32, #tpu.memory_space<vmem>> -> memref<1x50x500xf32, #tpu.memory_space<vmem>>
    %dma_wait3A_787 = tpu.memref_squeeze %dma_wait3A_786 : memref<1x50x500xf32, #tpu.memory_space<vmem>> -> memref<50x500xf32, #tpu.memory_space<vmem>>
    %dma_wait3A_788 = arith.constant 0 : i32
    %dma_wait3A_789 = arith.constant 0 : i32
    %dma_wait3A_790 = tpu.memref_slice %arg2[%add3A_711, %dma_wait3A_788, %dma_wait3A_789] : memref<1024x50x500xf32, #tpu.memory_space<hbm>> -> memref<1x50x500xf32, #tpu.memory_space<hbm>>
    %dma_wait3A_791 = tpu.memref_squeeze %dma_wait3A_790 : memref<1x50x500xf32, #tpu.memory_space<hbm>> -> memref<50x500xf32, #tpu.memory_space<hbm>>
    tpu.wait_dma2 semaphore(%arg6 : memref<!tpu.dma_semaphore, #tpu.memory_space<semaphore_mem>>) src(%dma_wait3A_791 : memref<50x500xf32, #tpu.memory_space<hbm>>) dst(%dma_wait3A_787 : memref<50x500xf32, #tpu.memory_space<vmem>>)
    %get3A_792 = arith.constant 0 : i32
    %get3A_793 = arith.constant 0 : i32
    %get3A_794 = arith.index_cast %get3A_792 : i32 to index
    %get3A_795 = arith.index_cast %get3A_793 : i32 to index
    %get3A_796 = arith.constant 0 : index
    %get3A_797 = tpu.vector_load %arg4[%get3A_794, %get3A_795, %get3A_796] {strides = array<i32>} : memref<2x50x500xf32, #tpu.memory_space<vmem>>, vector<1x1x16xf32>,
    %get3A_798 = vector.shape_cast %get3A_797 : vector<1x1x16xf32> to vector<16xf32>
    %add3A_799 = arith.addf %add3A_753, %get3A_798 : vector<16xf32>
    %add3A_800 = arith.constant 17 : i32
    %add3A_801 = arith.addi %mul3A_2, %add3A_800 : i32
    %add3A_802 = arith.constant 1 : i32
    %add3A_803 = arith.addi %add3A_801, %add3A_802 : i32
    %dma_start3A_804 = arith.constant 0 : i32
    %dma_start3A_805 = arith.constant 0 : i32
    %dma_start3A_806 = arith.constant 0 : i32
    %dma_start3A_807 = tpu.memref_slice %arg4[%dma_start3A_804, %dma_start3A_805, %dma_start3A_806] : memref<2x50x500xf32, #tpu.memory_space<vmem>> -> memref<1x50x500xf32, #tpu.memory_space<vmem>>
    %dma_start3A_808 = tpu.memref_squeeze %dma_start3A_807 : memref<1x50x500xf32, #tpu.memory_space<vmem>> -> memref<50x500xf32, #tpu.memory_space<vmem>>
    %dma_start3A_809 = arith.constant 0 : i32
    %dma_start3A_810 = arith.constant 0 : i32
    %dma_start3A_811 = tpu.memref_slice %arg2[%add3A_803, %dma_start3A_809, %dma_start3A_810] : memref<1024x50x500xf32, #tpu.memory_space<hbm>> -> memref<1x50x500xf32, #tpu.memory_space<hbm>>
    %dma_start3A_812 = tpu.memref_squeeze %dma_start3A_811 : memref<1x50x500xf32, #tpu.memory_space<hbm>> -> memref<50x500xf32, #tpu.memory_space<hbm>>
    %dma_start3A_813 = arith.constant 0 : i32
    %dma_start3A_814 = arith.constant 0 : i32
    %dma_start3A_815 = tpu.memref_slice %arg4[%dma_start3A_804, %dma_start3A_813, %dma_start3A_814] : memref<2x50x500xf32, #tpu.memory_space<vmem>> -> memref<1x50x500xf32, #tpu.memory_space<vmem>>
    %dma_start3A_816 = tpu.memref_squeeze %dma_start3A_815 : memref<1x50x500xf32, #tpu.memory_space<vmem>> -> memref<50x500xf32, #tpu.memory_space<vmem>>
    %dma_start3A_817 = arith.constant 0 : i32
    %dma_start3A_818 = arith.constant 0 : i32
    %dma_start3A_819 = tpu.memref_slice %arg2[%add3A_803, %dma_start3A_817, %dma_start3A_818] : memref<1024x50x500xf32, #tpu.memory_space<hbm>> -> memref<1x50x500xf32, #tpu.memory_space<hbm>>
    %dma_start3A_820 = tpu.memref_squeeze %dma_start3A_819 : memref<1x50x500xf32, #tpu.memory_space<hbm>> -> memref<50x500xf32, #tpu.memory_space<hbm>>
    tpu.enqueue_dma source(%dma_start3A_820 : memref<50x500xf32, #tpu.memory_space<hbm>>) target(%dma_start3A_816 : memref<50x500xf32, #tpu.memory_space<vmem>>) target_semaphore(%arg6 : memref<!tpu.dma_semaphore, #tpu.memory_space<semaphore_mem>>)
    %dma_wait3A_821 = arith.constant 1 : i32
    %dma_wait3A_822 = arith.constant 0 : i32
    %dma_wait3A_823 = arith.constant 0 : i32
    %dma_wait3A_824 = tpu.memref_slice %arg4[%dma_wait3A_821, %dma_wait3A_822, %dma_wait3A_823] : memref<2x50x500xf32, #tpu.memory_space<vmem>> -> memref<1x50x500xf32, #tpu.memory_space<vmem>>
    %dma_wait3A_825 = tpu.memref_squeeze %dma_wait3A_824 : memref<1x50x500xf32, #tpu.memory_space<vmem>> -> memref<50x500xf32, #tpu.memory_space<vmem>>
    %dma_wait3A_826 = arith.constant 0 : i32
    %dma_wait3A_827 = arith.constant 0 : i32
    %dma_wait3A_828 = tpu.memref_slice %arg2[%add3A_757, %dma_wait3A_826, %dma_wait3A_827] : memref<1024x50x500xf32, #tpu.memory_space<hbm>> -> memref<1x50x500xf32, #tpu.memory_space<hbm>>
    %dma_wait3A_829 = tpu.memref_squeeze %dma_wait3A_828 : memref<1x50x500xf32, #tpu.memory_space<hbm>> -> memref<50x500xf32, #tpu.memory_space<hbm>>
    %dma_wait3A_830 = arith.constant 0 : i32
    %dma_wait3A_831 = arith.constant 0 : i32
    %dma_wait3A_832 = tpu.memref_slice %arg4[%dma_wait3A_821, %dma_wait3A_830, %dma_wait3A_831] : memref<2x50x500xf32, #tpu.memory_space<vmem>> -> memref<1x50x500xf32, #tpu.memory_space<vmem>>
    %dma_wait3A_833 = tpu.memref_squeeze %dma_wait3A_832 : memref<1x50x500xf32, #tpu.memory_space<vmem>> -> memref<50x500xf32, #tpu.memory_space<vmem>>
    %dma_wait3A_834 = arith.constant 0 : i32
    %dma_wait3A_835 = arith.constant 0 : i32
    %dma_wait3A_836 = tpu.memref_slice %arg2[%add3A_757, %dma_wait3A_834, %dma_wait3A_835] : memref<1024x50x500xf32, #tpu.memory_space<hbm>> -> memref<1x50x500xf32, #tpu.memory_space<hbm>>
    %dma_wait3A_837 = tpu.memref_squeeze %dma_wait3A_836 : memref<1x50x500xf32, #tpu.memory_space<hbm>> -> memref<50x500xf32, #tpu.memory_space<hbm>>
    tpu.wait_dma2 semaphore(%arg7 : memref<!tpu.dma_semaphore, #tpu.memory_space<semaphore_mem>>) src(%dma_wait3A_837 : memref<50x500xf32, #tpu.memory_space<hbm>>) dst(%dma_wait3A_833 : memref<50x500xf32, #tpu.memory_space<vmem>>)
    %get3A_838 = arith.constant 1 : i32
    %get3A_839 = arith.constant 0 : i32
    %get3A_840 = arith.index_cast %get3A_838 : i32 to index
    %get3A_841 = arith.index_cast %get3A_839 : i32 to index
    %get3A_842 = arith.constant 0 : index
    %get3A_843 = tpu.vector_load %arg4[%get3A_840, %get3A_841, %get3A_842] {strides = array<i32>} : memref<2x50x500xf32, #tpu.memory_space<vmem>>, vector<1x1x16xf32>,
    %get3A_844 = vector.shape_cast %get3A_843 : vector<1x1x16xf32> to vector<16xf32>
    %add3A_845 = arith.addf %add3A_799, %get3A_844 : vector<16xf32>
    %add3A_846 = arith.constant 18 : i32
    %add3A_847 = arith.addi %mul3A_2, %add3A_846 : i32
    %add3A_848 = arith.constant 1 : i32
    %add3A_849 = arith.addi %add3A_847, %add3A_848 : i32
    %dma_start3A_850 = arith.constant 1 : i32
    %dma_start3A_851 = arith.constant 0 : i32
    %dma_start3A_852 = arith.constant 0 : i32
    %dma_start3A_853 = tpu.memref_slice %arg4[%dma_start3A_850, %dma_start3A_851, %dma_start3A_852] : memref<2x50x500xf32, #tpu.memory_space<vmem>> -> memref<1x50x500xf32, #tpu.memory_space<vmem>>
    %dma_start3A_854 = tpu.memref_squeeze %dma_start3A_853 : memref<1x50x500xf32, #tpu.memory_space<vmem>> -> memref<50x500xf32, #tpu.memory_space<vmem>>
    %dma_start3A_855 = arith.constant 0 : i32
    %dma_start3A_856 = arith.constant 0 : i32
    %dma_start3A_857 = tpu.memref_slice %arg2[%add3A_849, %dma_start3A_855, %dma_start3A_856] : memref<1024x50x500xf32, #tpu.memory_space<hbm>> -> memref<1x50x500xf32, #tpu.memory_space<hbm>>
    %dma_start3A_858 = tpu.memref_squeeze %dma_start3A_857 : memref<1x50x500xf32, #tpu.memory_space<hbm>> -> memref<50x500xf32, #tpu.memory_space<hbm>>
    %dma_start3A_859 = arith.constant 0 : i32
    %dma_start3A_860 = arith.constant 0 : i32
    %dma_start3A_861 = tpu.memref_slice %arg4[%dma_start3A_850, %dma_start3A_859, %dma_start3A_860] : memref<2x50x500xf32, #tpu.memory_space<vmem>> -> memref<1x50x500xf32, #tpu.memory_space<vmem>>
    %dma_start3A_862 = tpu.memref_squeeze %dma_start3A_861 : memref<1x50x500xf32, #tpu.memory_space<vmem>> -> memref<50x500xf32, #tpu.memory_space<vmem>>
    %dma_start3A_863 = arith.constant 0 : i32
    %dma_start3A_864 = arith.constant 0 : i32
    %dma_start3A_865 = tpu.memref_slice %arg2[%add3A_849, %dma_start3A_863, %dma_start3A_864] : memref<1024x50x500xf32, #tpu.memory_space<hbm>> -> memref<1x50x500xf32, #tpu.memory_space<hbm>>
    %dma_start3A_866 = tpu.memref_squeeze %dma_start3A_865 : memref<1x50x500xf32, #tpu.memory_space<hbm>> -> memref<50x500xf32, #tpu.memory_space<hbm>>
    tpu.enqueue_dma source(%dma_start3A_866 : memref<50x500xf32, #tpu.memory_space<hbm>>) target(%dma_start3A_862 : memref<50x500xf32, #tpu.memory_space<vmem>>) target_semaphore(%arg7 : memref<!tpu.dma_semaphore, #tpu.memory_space<semaphore_mem>>)
    %dma_wait3A_867 = arith.constant 0 : i32
    %dma_wait3A_868 = arith.constant 0 : i32
    %dma_wait3A_869 = arith.constant 0 : i32
    %dma_wait3A_870 = tpu.memref_slice %arg4[%dma_wait3A_867, %dma_wait3A_868, %dma_wait3A_869] : memref<2x50x500xf32, #tpu.memory_space<vmem>> -> memref<1x50x500xf32, #tpu.memory_space<vmem>>
    %dma_wait3A_871 = tpu.memref_squeeze %dma_wait3A_870 : memref<1x50x500xf32, #tpu.memory_space<vmem>> -> memref<50x500xf32, #tpu.memory_space<vmem>>
    %dma_wait3A_872 = arith.constant 0 : i32
    %dma_wait3A_873 = arith.constant 0 : i32
    %dma_wait3A_874 = tpu.memref_slice %arg2[%add3A_803, %dma_wait3A_872, %dma_wait3A_873] : memref<1024x50x500xf32, #tpu.memory_space<hbm>> -> memref<1x50x500xf32, #tpu.memory_space<hbm>>
    %dma_wait3A_875 = tpu.memref_squeeze %dma_wait3A_874 : memref<1x50x500xf32, #tpu.memory_space<hbm>> -> memref<50x500xf32, #tpu.memory_space<hbm>>
    %dma_wait3A_876 = arith.constant 0 : i32
    %dma_wait3A_877 = arith.constant 0 : i32
    %dma_wait3A_878 = tpu.memref_slice %arg4[%dma_wait3A_867, %dma_wait3A_876, %dma_wait3A_877] : memref<2x50x500xf32, #tpu.memory_space<vmem>> -> memref<1x50x500xf32, #tpu.memory_space<vmem>>
    %dma_wait3A_879 = tpu.memref_squeeze %dma_wait3A_878 : memref<1x50x500xf32, #tpu.memory_space<vmem>> -> memref<50x500xf32, #tpu.memory_space<vmem>>
    %dma_wait3A_880 = arith.constant 0 : i32
    %dma_wait3A_881 = arith.constant 0 : i32
    %dma_wait3A_882 = tpu.memref_slice %arg2[%add3A_803, %dma_wait3A_880, %dma_wait3A_881] : memref<1024x50x500xf32, #tpu.memory_space<hbm>> -> memref<1x50x500xf32, #tpu.memory_space<hbm>>
    %dma_wait3A_883 = tpu.memref_squeeze %dma_wait3A_882 : memref<1x50x500xf32, #tpu.memory_space<hbm>> -> memref<50x500xf32, #tpu.memory_space<hbm>>
    tpu.wait_dma2 semaphore(%arg6 : memref<!tpu.dma_semaphore, #tpu.memory_space<semaphore_mem>>) src(%dma_wait3A_883 : memref<50x500xf32, #tpu.memory_space<hbm>>) dst(%dma_wait3A_879 : memref<50x500xf32, #tpu.memory_space<vmem>>)
    %get3A_884 = arith.constant 0 : i32
    %get3A_885 = arith.constant 0 : i32
    %get3A_886 = arith.index_cast %get3A_884 : i32 to index
    %get3A_887 = arith.index_cast %get3A_885 : i32 to index
    %get3A_888 = arith.constant 0 : index
    %get3A_889 = tpu.vector_load %arg4[%get3A_886, %get3A_887, %get3A_888] {strides = array<i32>} : memref<2x50x500xf32, #tpu.memory_space<vmem>>, vector<1x1x16xf32>,
    %get3A_890 = vector.shape_cast %get3A_889 : vector<1x1x16xf32> to vector<16xf32>
    %add3A_891 = arith.addf %add3A_845, %get3A_890 : vector<16xf32>
    %add3A_892 = arith.constant 19 : i32
    %add3A_893 = arith.addi %mul3A_2, %add3A_892 : i32
    %add3A_894 = arith.constant 1 : i32
    %add3A_895 = arith.addi %add3A_893, %add3A_894 : i32
    %dma_start3A_896 = arith.constant 0 : i32
    %dma_start3A_897 = arith.constant 0 : i32
    %dma_start3A_898 = arith.constant 0 : i32
    %dma_start3A_899 = tpu.memref_slice %arg4[%dma_start3A_896, %dma_start3A_897, %dma_start3A_898] : memref<2x50x500xf32, #tpu.memory_space<vmem>> -> memref<1x50x500xf32, #tpu.memory_space<vmem>>
    %dma_start3A_900 = tpu.memref_squeeze %dma_start3A_899 : memref<1x50x500xf32, #tpu.memory_space<vmem>> -> memref<50x500xf32, #tpu.memory_space<vmem>>
    %dma_start3A_901 = arith.constant 0 : i32
    %dma_start3A_902 = arith.constant 0 : i32
    %dma_start3A_903 = tpu.memref_slice %arg2[%add3A_895, %dma_start3A_901, %dma_start3A_902] : memref<1024x50x500xf32, #tpu.memory_space<hbm>> -> memref<1x50x500xf32, #tpu.memory_space<hbm>>
    %dma_start3A_904 = tpu.memref_squeeze %dma_start3A_903 : memref<1x50x500xf32, #tpu.memory_space<hbm>> -> memref<50x500xf32, #tpu.memory_space<hbm>>
    %dma_start3A_905 = arith.constant 0 : i32
    %dma_start3A_906 = arith.constant 0 : i32
    %dma_start3A_907 = tpu.memref_slice %arg4[%dma_start3A_896, %dma_start3A_905, %dma_start3A_906] : memref<2x50x500xf32, #tpu.memory_space<vmem>> -> memref<1x50x500xf32, #tpu.memory_space<vmem>>
    %dma_start3A_908 = tpu.memref_squeeze %dma_start3A_907 : memref<1x50x500xf32, #tpu.memory_space<vmem>> -> memref<50x500xf32, #tpu.memory_space<vmem>>
    %dma_start3A_909 = arith.constant 0 : i32
    %dma_start3A_910 = arith.constant 0 : i32
    %dma_start3A_911 = tpu.memref_slice %arg2[%add3A_895, %dma_start3A_909, %dma_start3A_910] : memref<1024x50x500xf32, #tpu.memory_space<hbm>> -> memref<1x50x500xf32, #tpu.memory_space<hbm>>
    %dma_start3A_912 = tpu.memref_squeeze %dma_start3A_911 : memref<1x50x500xf32, #tpu.memory_space<hbm>> -> memref<50x500xf32, #tpu.memory_space<hbm>>
    tpu.enqueue_dma source(%dma_start3A_912 : memref<50x500xf32, #tpu.memory_space<hbm>>) target(%dma_start3A_908 : memref<50x500xf32, #tpu.memory_space<vmem>>) target_semaphore(%arg6 : memref<!tpu.dma_semaphore, #tpu.memory_space<semaphore_mem>>)
    %dma_wait3A_913 = arith.constant 1 : i32
    %dma_wait3A_914 = arith.constant 0 : i32
    %dma_wait3A_915 = arith.constant 0 : i32
    %dma_wait3A_916 = tpu.memref_slice %arg4[%dma_wait3A_913, %dma_wait3A_914, %dma_wait3A_915] : memref<2x50x500xf32, #tpu.memory_space<vmem>> -> memref<1x50x500xf32, #tpu.memory_space<vmem>>
    %dma_wait3A_917 = tpu.memref_squeeze %dma_wait3A_916 : memref<1x50x500xf32, #tpu.memory_space<vmem>> -> memref<50x500xf32, #tpu.memory_space<vmem>>
    %dma_wait3A_918 = arith.constant 0 : i32
    %dma_wait3A_919 = arith.constant 0 : i32
    %dma_wait3A_920 = tpu.memref_slice %arg2[%add3A_849, %dma_wait3A_918, %dma_wait3A_919] : memref<1024x50x500xf32, #tpu.memory_space<hbm>> -> memref<1x50x500xf32, #tpu.memory_space<hbm>>
    %dma_wait3A_921 = tpu.memref_squeeze %dma_wait3A_920 : memref<1x50x500xf32, #tpu.memory_space<hbm>> -> memref<50x500xf32, #tpu.memory_space<hbm>>
    %dma_wait3A_922 = arith.constant 0 : i32
    %dma_wait3A_923 = arith.constant 0 : i32
    %dma_wait3A_924 = tpu.memref_slice %arg4[%dma_wait3A_913, %dma_wait3A_922, %dma_wait3A_923] : memref<2x50x500xf32, #tpu.memory_space<vmem>> -> memref<1x50x500xf32, #tpu.memory_space<vmem>>
    %dma_wait3A_925 = tpu.memref_squeeze %dma_wait3A_924 : memref<1x50x500xf32, #tpu.memory_space<vmem>> -> memref<50x500xf32, #tpu.memory_space<vmem>>
    %dma_wait3A_926 = arith.constant 0 : i32
    %dma_wait3A_927 = arith.constant 0 : i32
    %dma_wait3A_928 = tpu.memref_slice %arg2[%add3A_849, %dma_wait3A_926, %dma_wait3A_927] : memref<1024x50x500xf32, #tpu.memory_space<hbm>> -> memref<1x50x500xf32, #tpu.memory_space<hbm>>
    %dma_wait3A_929 = tpu.memref_squeeze %dma_wait3A_928 : memref<1x50x500xf32, #tpu.memory_space<hbm>> -> memref<50x500xf32, #tpu.memory_space<hbm>>
    tpu.wait_dma2 semaphore(%arg7 : memref<!tpu.dma_semaphore, #tpu.memory_space<semaphore_mem>>) src(%dma_wait3A_929 : memref<50x500xf32, #tpu.memory_space<hbm>>) dst(%dma_wait3A_925 : memref<50x500xf32, #tpu.memory_space<vmem>>)
    %get3A_930 = arith.constant 1 : i32
    %get3A_931 = arith.constant 0 : i32
    %get3A_932 = arith.index_cast %get3A_930 : i32 to index
    %get3A_933 = arith.index_cast %get3A_931 : i32 to index
    %get3A_934 = arith.constant 0 : index
    %get3A_935 = tpu.vector_load %arg4[%get3A_932, %get3A_933, %get3A_934] {strides = array<i32>} : memref<2x50x500xf32, #tpu.memory_space<vmem>>, vector<1x1x16xf32>,
    %get3A_936 = vector.shape_cast %get3A_935 : vector<1x1x16xf32> to vector<16xf32>
    %add3A_937 = arith.addf %add3A_891, %get3A_936 : vector<16xf32>
    %add3A_938 = arith.constant 20 : i32
    %add3A_939 = arith.addi %mul3A_2, %add3A_938 : i32
    %add3A_940 = arith.constant 1 : i32
    %add3A_941 = arith.addi %add3A_939, %add3A_940 : i32
    %dma_start3A_942 = arith.constant 1 : i32
    %dma_start3A_943 = arith.constant 0 : i32
    %dma_start3A_944 = arith.constant 0 : i32
    %dma_start3A_945 = tpu.memref_slice %arg4[%dma_start3A_942, %dma_start3A_943, %dma_start3A_944] : memref<2x50x500xf32, #tpu.memory_space<vmem>> -> memref<1x50x500xf32, #tpu.memory_space<vmem>>
    %dma_start3A_946 = tpu.memref_squeeze %dma_start3A_945 : memref<1x50x500xf32, #tpu.memory_space<vmem>> -> memref<50x500xf32, #tpu.memory_space<vmem>>
    %dma_start3A_947 = arith.constant 0 : i32
    %dma_start3A_948 = arith.constant 0 : i32
    %dma_start3A_949 = tpu.memref_slice %arg2[%add3A_941, %dma_start3A_947, %dma_start3A_948] : memref<1024x50x500xf32, #tpu.memory_space<hbm>> -> memref<1x50x500xf32, #tpu.memory_space<hbm>>
    %dma_start3A_950 = tpu.memref_squeeze %dma_start3A_949 : memref<1x50x500xf32, #tpu.memory_space<hbm>> -> memref<50x500xf32, #tpu.memory_space<hbm>>
    %dma_start3A_951 = arith.constant 0 : i32
    %dma_start3A_952 = arith.constant 0 : i32
    %dma_start3A_953 = tpu.memref_slice %arg4[%dma_start3A_942, %dma_start3A_951, %dma_start3A_952] : memref<2x50x500xf32, #tpu.memory_space<vmem>> -> memref<1x50x500xf32, #tpu.memory_space<vmem>>
    %dma_start3A_954 = tpu.memref_squeeze %dma_start3A_953 : memref<1x50x500xf32, #tpu.memory_space<vmem>> -> memref<50x500xf32, #tpu.memory_space<vmem>>
    %dma_start3A_955 = arith.constant 0 : i32
    %dma_start3A_956 = arith.constant 0 : i32
    %dma_start3A_957 = tpu.memref_slice %arg2[%add3A_941, %dma_start3A_955, %dma_start3A_956] : memref<1024x50x500xf32, #tpu.memory_space<hbm>> -> memref<1x50x500xf32, #tpu.memory_space<hbm>>
    %dma_start3A_958 = tpu.memref_squeeze %dma_start3A_957 : memref<1x50x500xf32, #tpu.memory_space<hbm>> -> memref<50x500xf32, #tpu.memory_space<hbm>>
    tpu.enqueue_dma source(%dma_start3A_958 : memref<50x500xf32, #tpu.memory_space<hbm>>) target(%dma_start3A_954 : memref<50x500xf32, #tpu.memory_space<vmem>>) target_semaphore(%arg7 : memref<!tpu.dma_semaphore, #tpu.memory_space<semaphore_mem>>)
    %dma_wait3A_959 = arith.constant 0 : i32
    %dma_wait3A_960 = arith.constant 0 : i32
    %dma_wait3A_961 = arith.constant 0 : i32
    %dma_wait3A_962 = tpu.memref_slice %arg4[%dma_wait3A_959, %dma_wait3A_960, %dma_wait3A_961] : memref<2x50x500xf32, #tpu.memory_space<vmem>> -> memref<1x50x500xf32, #tpu.memory_space<vmem>>
    %dma_wait3A_963 = tpu.memref_squeeze %dma_wait3A_962 : memref<1x50x500xf32, #tpu.memory_space<vmem>> -> memref<50x500xf32, #tpu.memory_space<vmem>>
    %dma_wait3A_964 = arith.constant 0 : i32
    %dma_wait3A_965 = arith.constant 0 : i32
    %dma_wait3A_966 = tpu.memref_slice %arg2[%add3A_895, %dma_wait3A_964, %dma_wait3A_965] : memref<1024x50x500xf32, #tpu.memory_space<hbm>> -> memref<1x50x500xf32, #tpu.memory_space<hbm>>
    %dma_wait3A_967 = tpu.memref_squeeze %dma_wait3A_966 : memref<1x50x500xf32, #tpu.memory_space<hbm>> -> memref<50x500xf32, #tpu.memory_space<hbm>>
    %dma_wait3A_968 = arith.constant 0 : i32
    %dma_wait3A_969 = arith.constant 0 : i32
    %dma_wait3A_970 = tpu.memref_slice %arg4[%dma_wait3A_959, %dma_wait3A_968, %dma_wait3A_969] : memref<2x50x500xf32, #tpu.memory_space<vmem>> -> memref<1x50x500xf32, #tpu.memory_space<vmem>>
    %dma_wait3A_971 = tpu.memref_squeeze %dma_wait3A_970 : memref<1x50x500xf32, #tpu.memory_space<vmem>> -> memref<50x500xf32, #tpu.memory_space<vmem>>
    %dma_wait3A_972 = arith.constant 0 : i32
    %dma_wait3A_973 = arith.constant 0 : i32
    %dma_wait3A_974 = tpu.memref_slice %arg2[%add3A_895, %dma_wait3A_972, %dma_wait3A_973] : memref<1024x50x500xf32, #tpu.memory_space<hbm>> -> memref<1x50x500xf32, #tpu.memory_space<hbm>>
    %dma_wait3A_975 = tpu.memref_squeeze %dma_wait3A_974 : memref<1x50x500xf32, #tpu.memory_space<hbm>> -> memref<50x500xf32, #tpu.memory_space<hbm>>
    tpu.wait_dma2 semaphore(%arg6 : memref<!tpu.dma_semaphore, #tpu.memory_space<semaphore_mem>>) src(%dma_wait3A_975 : memref<50x500xf32, #tpu.memory_space<hbm>>) dst(%dma_wait3A_971 : memref<50x500xf32, #tpu.memory_space<vmem>>)
    %get3A_976 = arith.constant 0 : i32
    %get3A_977 = arith.constant 0 : i32
    %get3A_978 = arith.index_cast %get3A_976 : i32 to index
    %get3A_979 = arith.index_cast %get3A_977 : i32 to index
    %get3A_980 = arith.constant 0 : index
    %get3A_981 = tpu.vector_load %arg4[%get3A_978, %get3A_979, %get3A_980] {strides = array<i32>} : memref<2x50x500xf32, #tpu.memory_space<vmem>>, vector<1x1x16xf32>,
    %get3A_982 = vector.shape_cast %get3A_981 : vector<1x1x16xf32> to vector<16xf32>
    %add3A_983 = arith.addf %add3A_937, %get3A_982 : vector<16xf32>
    %add3A_984 = arith.constant 21 : i32
    %add3A_985 = arith.addi %mul3A_2, %add3A_984 : i32
    %add3A_986 = arith.constant 1 : i32
    %add3A_987 = arith.addi %add3A_985, %add3A_986 : i32
    %dma_start3A_988 = arith.constant 0 : i32
    %dma_start3A_989 = arith.constant 0 : i32
    %dma_start3A_990 = arith.constant 0 : i32
    %dma_start3A_991 = tpu.memref_slice %arg4[%dma_start3A_988, %dma_start3A_989, %dma_start3A_990] : memref<2x50x500xf32, #tpu.memory_space<vmem>> -> memref<1x50x500xf32, #tpu.memory_space<vmem>>
    %dma_start3A_992 = tpu.memref_squeeze %dma_start3A_991 : memref<1x50x500xf32, #tpu.memory_space<vmem>> -> memref<50x500xf32, #tpu.memory_space<vmem>>
    %dma_start3A_993 = arith.constant 0 : i32
    %dma_start3A_994 = arith.constant 0 : i32
    %dma_start3A_995 = tpu.memref_slice %arg2[%add3A_987, %dma_start3A_993, %dma_start3A_994] : memref<1024x50x500xf32, #tpu.memory_space<hbm>> -> memref<1x50x500xf32, #tpu.memory_space<hbm>>
    %dma_start3A_996 = tpu.memref_squeeze %dma_start3A_995 : memref<1x50x500xf32, #tpu.memory_space<hbm>> -> memref<50x500xf32, #tpu.memory_space<hbm>>
    %dma_start3A_997 = arith.constant 0 : i32
    %dma_start3A_998 = arith.constant 0 : i32
    %dma_start3A_999 = tpu.memref_slice %arg4[%dma_start3A_988, %dma_start3A_997, %dma_start3A_998] : memref<2x50x500xf32, #tpu.memory_space<vmem>> -> memref<1x50x500xf32, #tpu.memory_space<vmem>>
    %dma_start3A_1000 = tpu.memref_squeeze %dma_start3A_999 : memref<1x50x500xf32, #tpu.memory_space<vmem>> -> memref<50x500xf32, #tpu.memory_space<vmem>>
    %dma_start3A_1001 = arith.constant 0 : i32
    %dma_start3A_1002 = arith.constant 0 : i32
    %dma_start3A_1003 = tpu.memref_slice %arg2[%add3A_987, %dma_start3A_1001, %dma_start3A_1002] : memref<1024x50x500xf32, #tpu.memory_space<hbm>> -> memref<1x50x500xf32, #tpu.memory_space<hbm>>
    %dma_start3A_1004 = tpu.memref_squeeze %dma_start3A_1003 : memref<1x50x500xf32, #tpu.memory_space<hbm>> -> memref<50x500xf32, #tpu.memory_space<hbm>>
    tpu.enqueue_dma source(%dma_start3A_1004 : memref<50x500xf32, #tpu.memory_space<hbm>>) target(%dma_start3A_1000 : memref<50x500xf32, #tpu.memory_space<vmem>>) target_semaphore(%arg6 : memref<!tpu.dma_semaphore, #tpu.memory_space<semaphore_mem>>)
    %dma_wait3A_1005 = arith.constant 1 : i32
    %dma_wait3A_1006 = arith.constant 0 : i32
    %dma_wait3A_1007 = arith.constant 0 : i32
    %dma_wait3A_1008 = tpu.memref_slice %arg4[%dma_wait3A_1005, %dma_wait3A_1006, %dma_wait3A_1007] : memref<2x50x500xf32, #tpu.memory_space<vmem>> -> memref<1x50x500xf32, #tpu.memory_space<vmem>>
    %dma_wait3A_1009 = tpu.memref_squeeze %dma_wait3A_1008 : memref<1x50x500xf32, #tpu.memory_space<vmem>> -> memref<50x500xf32, #tpu.memory_space<vmem>>
    %dma_wait3A_1010 = arith.constant 0 : i32
    %dma_wait3A_1011 = arith.constant 0 : i32
    %dma_wait3A_1012 = tpu.memref_slice %arg2[%add3A_941, %dma_wait3A_1010, %dma_wait3A_1011] : memref<1024x50x500xf32, #tpu.memory_space<hbm>> -> memref<1x50x500xf32, #tpu.memory_space<hbm>>
    %dma_wait3A_1013 = tpu.memref_squeeze %dma_wait3A_1012 : memref<1x50x500xf32, #tpu.memory_space<hbm>> -> memref<50x500xf32, #tpu.memory_space<hbm>>
    %dma_wait3A_1014 = arith.constant 0 : i32
    %dma_wait3A_1015 = arith.constant 0 : i32
    %dma_wait3A_1016 = tpu.memref_slice %arg4[%dma_wait3A_1005, %dma_wait3A_1014, %dma_wait3A_1015] : memref<2x50x500xf32, #tpu.memory_space<vmem>> -> memref<1x50x500xf32, #tpu.memory_space<vmem>>
    %dma_wait3A_1017 = tpu.memref_squeeze %dma_wait3A_1016 : memref<1x50x500xf32, #tpu.memory_space<vmem>> -> memref<50x500xf32, #tpu.memory_space<vmem>>
    %dma_wait3A_1018 = arith.constant 0 : i32
    %dma_wait3A_1019 = arith.constant 0 : i32
    %dma_wait3A_1020 = tpu.memref_slice %arg2[%add3A_941, %dma_wait3A_1018, %dma_wait3A_1019] : memref<1024x50x500xf32, #tpu.memory_space<hbm>> -> memref<1x50x500xf32, #tpu.memory_space<hbm>>
    %dma_wait3A_1021 = tpu.memref_squeeze %dma_wait3A_1020 : memref<1x50x500xf32, #tpu.memory_space<hbm>> -> memref<50x500xf32, #tpu.memory_space<hbm>>
    tpu.wait_dma2 semaphore(%arg7 : memref<!tpu.dma_semaphore, #tpu.memory_space<semaphore_mem>>) src(%dma_wait3A_1021 : memref<50x500xf32, #tpu.memory_space<hbm>>) dst(%dma_wait3A_1017 : memref<50x500xf32, #tpu.memory_space<vmem>>)
    %get3A_1022 = arith.constant 1 : i32
    %get3A_1023 = arith.constant 0 : i32
    %get3A_1024 = arith.index_cast %get3A_1022 : i32 to index
    %get3A_1025 = arith.index_cast %get3A_1023 : i32 to index
    %get3A_1026 = arith.constant 0 : index
    %get3A_1027 = tpu.vector_load %arg4[%get3A_1024, %get3A_1025, %get3A_1026] {strides = array<i32>} : memref<2x50x500xf32, #tpu.memory_space<vmem>>, vector<1x1x16xf32>,
    %get3A_1028 = vector.shape_cast %get3A_1027 : vector<1x1x16xf32> to vector<16xf32>
    %add3A_1029 = arith.addf %add3A_983, %get3A_1028 : vector<16xf32>
    %add3A_1030 = arith.constant 22 : i32
    %add3A_1031 = arith.addi %mul3A_2, %add3A_1030 : i32
    %add3A_1032 = arith.constant 1 : i32
    %add3A_1033 = arith.addi %add3A_1031, %add3A_1032 : i32
    %dma_start3A_1034 = arith.constant 1 : i32
    %dma_start3A_1035 = arith.constant 0 : i32
    %dma_start3A_1036 = arith.constant 0 : i32
    %dma_start3A_1037 = tpu.memref_slice %arg4[%dma_start3A_1034, %dma_start3A_1035, %dma_start3A_1036] : memref<2x50x500xf32, #tpu.memory_space<vmem>> -> memref<1x50x500xf32, #tpu.memory_space<vmem>>
    %dma_start3A_1038 = tpu.memref_squeeze %dma_start3A_1037 : memref<1x50x500xf32, #tpu.memory_space<vmem>> -> memref<50x500xf32, #tpu.memory_space<vmem>>
    %dma_start3A_1039 = arith.constant 0 : i32
    %dma_start3A_1040 = arith.constant 0 : i32
    %dma_start3A_1041 = tpu.memref_slice %arg2[%add3A_1033, %dma_start3A_1039, %dma_start3A_1040] : memref<1024x50x500xf32, #tpu.memory_space<hbm>> -> memref<1x50x500xf32, #tpu.memory_space<hbm>>
    %dma_start3A_1042 = tpu.memref_squeeze %dma_start3A_1041 : memref<1x50x500xf32, #tpu.memory_space<hbm>> -> memref<50x500xf32, #tpu.memory_space<hbm>>
    %dma_start3A_1043 = arith.constant 0 : i32
    %dma_start3A_1044 = arith.constant 0 : i32
    %dma_start3A_1045 = tpu.memref_slice %arg4[%dma_start3A_1034, %dma_start3A_1043, %dma_start3A_1044] : memref<2x50x500xf32, #tpu.memory_space<vmem>> -> memref<1x50x500xf32, #tpu.memory_space<vmem>>
    %dma_start3A_1046 = tpu.memref_squeeze %dma_start3A_1045 : memref<1x50x500xf32, #tpu.memory_space<vmem>> -> memref<50x500xf32, #tpu.memory_space<vmem>>
    %dma_start3A_1047 = arith.constant 0 : i32
    %dma_start3A_1048 = arith.constant 0 : i32
    %dma_start3A_1049 = tpu.memref_slice %arg2[%add3A_1033, %dma_start3A_1047, %dma_start3A_1048] : memref<1024x50x500xf32, #tpu.memory_space<hbm>> -> memref<1x50x500xf32, #tpu.memory_space<hbm>>
    %dma_start3A_1050 = tpu.memref_squeeze %dma_start3A_1049 : memref<1x50x500xf32, #tpu.memory_space<hbm>> -> memref<50x500xf32, #tpu.memory_space<hbm>>
    tpu.enqueue_dma source(%dma_start3A_1050 : memref<50x500xf32, #tpu.memory_space<hbm>>) target(%dma_start3A_1046 : memref<50x500xf32, #tpu.memory_space<vmem>>) target_semaphore(%arg7 : memref<!tpu.dma_semaphore, #tpu.memory_space<semaphore_mem>>)
    %dma_wait3A_1051 = arith.constant 0 : i32
    %dma_wait3A_1052 = arith.constant 0 : i32
    %dma_wait3A_1053 = arith.constant 0 : i32
    %dma_wait3A_1054 = tpu.memref_slice %arg4[%dma_wait3A_1051, %dma_wait3A_1052, %dma_wait3A_1053] : memref<2x50x500xf32, #tpu.memory_space<vmem>> -> memref<1x50x500xf32, #tpu.memory_space<vmem>>
    %dma_wait3A_1055 = tpu.memref_squeeze %dma_wait3A_1054 : memref<1x50x500xf32, #tpu.memory_space<vmem>> -> memref<50x500xf32, #tpu.memory_space<vmem>>
    %dma_wait3A_1056 = arith.constant 0 : i32
    %dma_wait3A_1057 = arith.constant 0 : i32
    %dma_wait3A_1058 = tpu.memref_slice %arg2[%add3A_987, %dma_wait3A_1056, %dma_wait3A_1057] : memref<1024x50x500xf32, #tpu.memory_space<hbm>> -> memref<1x50x500xf32, #tpu.memory_space<hbm>>
    %dma_wait3A_1059 = tpu.memref_squeeze %dma_wait3A_1058 : memref<1x50x500xf32, #tpu.memory_space<hbm>> -> memref<50x500xf32, #tpu.memory_space<hbm>>
    %dma_wait3A_1060 = arith.constant 0 : i32
    %dma_wait3A_1061 = arith.constant 0 : i32
    %dma_wait3A_1062 = tpu.memref_slice %arg4[%dma_wait3A_1051, %dma_wait3A_1060, %dma_wait3A_1061] : memref<2x50x500xf32, #tpu.memory_space<vmem>> -> memref<1x50x500xf32, #tpu.memory_space<vmem>>
    %dma_wait3A_1063 = tpu.memref_squeeze %dma_wait3A_1062 : memref<1x50x500xf32, #tpu.memory_space<vmem>> -> memref<50x500xf32, #tpu.memory_space<vmem>>
    %dma_wait3A_1064 = arith.constant 0 : i32
    %dma_wait3A_1065 = arith.constant 0 : i32
    %dma_wait3A_1066 = tpu.memref_slice %arg2[%add3A_987, %dma_wait3A_1064, %dma_wait3A_1065] : memref<1024x50x500xf32, #tpu.memory_space<hbm>> -> memref<1x50x500xf32, #tpu.memory_space<hbm>>
    %dma_wait3A_1067 = tpu.memref_squeeze %dma_wait3A_1066 : memref<1x50x500xf32, #tpu.memory_space<hbm>> -> memref<50x500xf32, #tpu.memory_space<hbm>>
    tpu.wait_dma2 semaphore(%arg6 : memref<!tpu.dma_semaphore, #tpu.memory_space<semaphore_mem>>) src(%dma_wait3A_1067 : memref<50x500xf32, #tpu.memory_space<hbm>>) dst(%dma_wait3A_1063 : memref<50x500xf32, #tpu.memory_space<vmem>>)
    %get3A_1068 = arith.constant 0 : i32
    %get3A_1069 = arith.constant 0 : i32
    %get3A_1070 = arith.index_cast %get3A_1068 : i32 to index
    %get3A_1071 = arith.index_cast %get3A_1069 : i32 to index
    %get3A_1072 = arith.constant 0 : index
    %get3A_1073 = tpu.vector_load %arg4[%get3A_1070, %get3A_1071, %get3A_1072] {strides = array<i32>} : memref<2x50x500xf32, #tpu.memory_space<vmem>>, vector<1x1x16xf32>,
    %get3A_1074 = vector.shape_cast %get3A_1073 : vector<1x1x16xf32> to vector<16xf32>
    %add3A_1075 = arith.addf %add3A_1029, %get3A_1074 : vector<16xf32>
    %add3A_1076 = arith.constant 23 : i32
    %add3A_1077 = arith.addi %mul3A_2, %add3A_1076 : i32
    %add3A_1078 = arith.constant 1 : i32
    %add3A_1079 = arith.addi %add3A_1077, %add3A_1078 : i32
    %dma_start3A_1080 = arith.constant 0 : i32
    %dma_start3A_1081 = arith.constant 0 : i32
    %dma_start3A_1082 = arith.constant 0 : i32
    %dma_start3A_1083 = tpu.memref_slice %arg4[%dma_start3A_1080, %dma_start3A_1081, %dma_start3A_1082] : memref<2x50x500xf32, #tpu.memory_space<vmem>> -> memref<1x50x500xf32, #tpu.memory_space<vmem>>
    %dma_start3A_1084 = tpu.memref_squeeze %dma_start3A_1083 : memref<1x50x500xf32, #tpu.memory_space<vmem>> -> memref<50x500xf32, #tpu.memory_space<vmem>>
    %dma_start3A_1085 = arith.constant 0 : i32
    %dma_start3A_1086 = arith.constant 0 : i32
    %dma_start3A_1087 = tpu.memref_slice %arg2[%add3A_1079, %dma_start3A_1085, %dma_start3A_1086] : memref<1024x50x500xf32, #tpu.memory_space<hbm>> -> memref<1x50x500xf32, #tpu.memory_space<hbm>>
    %dma_start3A_1088 = tpu.memref_squeeze %dma_start3A_1087 : memref<1x50x500xf32, #tpu.memory_space<hbm>> -> memref<50x500xf32, #tpu.memory_space<hbm>>
    %dma_start3A_1089 = arith.constant 0 : i32
    %dma_start3A_1090 = arith.constant 0 : i32
    %dma_start3A_1091 = tpu.memref_slice %arg4[%dma_start3A_1080, %dma_start3A_1089, %dma_start3A_1090] : memref<2x50x500xf32, #tpu.memory_space<vmem>> -> memref<1x50x500xf32, #tpu.memory_space<vmem>>
    %dma_start3A_1092 = tpu.memref_squeeze %dma_start3A_1091 : memref<1x50x500xf32, #tpu.memory_space<vmem>> -> memref<50x500xf32, #tpu.memory_space<vmem>>
    %dma_start3A_1093 = arith.constant 0 : i32
    %dma_start3A_1094 = arith.constant 0 : i32
    %dma_start3A_1095 = tpu.memref_slice %arg2[%add3A_1079, %dma_start3A_1093, %dma_start3A_1094] : memref<1024x50x500xf32, #tpu.memory_space<hbm>> -> memref<1x50x500xf32, #tpu.memory_space<hbm>>
    %dma_start3A_1096 = tpu.memref_squeeze %dma_start3A_1095 : memref<1x50x500xf32, #tpu.memory_space<hbm>> -> memref<50x500xf32, #tpu.memory_space<hbm>>
    tpu.enqueue_dma source(%dma_start3A_1096 : memref<50x500xf32, #tpu.memory_space<hbm>>) target(%dma_start3A_1092 : memref<50x500xf32, #tpu.memory_space<vmem>>) target_semaphore(%arg6 : memref<!tpu.dma_semaphore, #tpu.memory_space<semaphore_mem>>)
    %dma_wait3A_1097 = arith.constant 1 : i32
    %dma_wait3A_1098 = arith.constant 0 : i32
    %dma_wait3A_1099 = arith.constant 0 : i32
    %dma_wait3A_1100 = tpu.memref_slice %arg4[%dma_wait3A_1097, %dma_wait3A_1098, %dma_wait3A_1099] : memref<2x50x500xf32, #tpu.memory_space<vmem>> -> memref<1x50x500xf32, #tpu.memory_space<vmem>>
    %dma_wait3A_1101 = tpu.memref_squeeze %dma_wait3A_1100 : memref<1x50x500xf32, #tpu.memory_space<vmem>> -> memref<50x500xf32, #tpu.memory_space<vmem>>
    %dma_wait3A_1102 = arith.constant 0 : i32
    %dma_wait3A_1103 = arith.constant 0 : i32
    %dma_wait3A_1104 = tpu.memref_slice %arg2[%add3A_1033, %dma_wait3A_1102, %dma_wait3A_1103] : memref<1024x50x500xf32, #tpu.memory_space<hbm>> -> memref<1x50x500xf32, #tpu.memory_space<hbm>>
    %dma_wait3A_1105 = tpu.memref_squeeze %dma_wait3A_1104 : memref<1x50x500xf32, #tpu.memory_space<hbm>> -> memref<50x500xf32, #tpu.memory_space<hbm>>
    %dma_wait3A_1106 = arith.constant 0 : i32
    %dma_wait3A_1107 = arith.constant 0 : i32
    %dma_wait3A_1108 = tpu.memref_slice %arg4[%dma_wait3A_1097, %dma_wait3A_1106, %dma_wait3A_1107] : memref<2x50x500xf32, #tpu.memory_space<vmem>> -> memref<1x50x500xf32, #tpu.memory_space<vmem>>
    %dma_wait3A_1109 = tpu.memref_squeeze %dma_wait3A_1108 : memref<1x50x500xf32, #tpu.memory_space<vmem>> -> memref<50x500xf32, #tpu.memory_space<vmem>>
    %dma_wait3A_1110 = arith.constant 0 : i32
    %dma_wait3A_1111 = arith.constant 0 : i32
    %dma_wait3A_1112 = tpu.memref_slice %arg2[%add3A_1033, %dma_wait3A_1110, %dma_wait3A_1111] : memref<1024x50x500xf32, #tpu.memory_space<hbm>> -> memref<1x50x500xf32, #tpu.memory_space<hbm>>
    %dma_wait3A_1113 = tpu.memref_squeeze %dma_wait3A_1112 : memref<1x50x500xf32, #tpu.memory_space<hbm>> -> memref<50x500xf32, #tpu.memory_space<hbm>>
    tpu.wait_dma2 semaphore(%arg7 : memref<!tpu.dma_semaphore, #tpu.memory_space<semaphore_mem>>) src(%dma_wait3A_1113 : memref<50x500xf32, #tpu.memory_space<hbm>>) dst(%dma_wait3A_1109 : memref<50x500xf32, #tpu.memory_space<vmem>>)
    %get3A_1114 = arith.constant 1 : i32
    %get3A_1115 = arith.constant 0 : i32
    %get3A_1116 = arith.index_cast %get3A_1114 : i32 to index
    %get3A_1117 = arith.index_cast %get3A_1115 : i32 to index
    %get3A_1118 = arith.constant 0 : index
    %get3A_1119 = tpu.vector_load %arg4[%get3A_1116, %get3A_1117, %get3A_1118] {strides = array<i32>} : memref<2x50x500xf32, #tpu.memory_space<vmem>>, vector<1x1x16xf32>,
    %get3A_1120 = vector.shape_cast %get3A_1119 : vector<1x1x16xf32> to vector<16xf32>
    %add3A_1121 = arith.addf %add3A_1075, %get3A_1120 : vector<16xf32>
    %add3A_1122 = arith.constant 24 : i32
    %add3A_1123 = arith.addi %mul3A_2, %add3A_1122 : i32
    %add3A_1124 = arith.constant 1 : i32
    %add3A_1125 = arith.addi %add3A_1123, %add3A_1124 : i32
    %dma_start3A_1126 = arith.constant 1 : i32
    %dma_start3A_1127 = arith.constant 0 : i32
    %dma_start3A_1128 = arith.constant 0 : i32
    %dma_start3A_1129 = tpu.memref_slice %arg4[%dma_start3A_1126, %dma_start3A_1127, %dma_start3A_1128] : memref<2x50x500xf32, #tpu.memory_space<vmem>> -> memref<1x50x500xf32, #tpu.memory_space<vmem>>
    %dma_start3A_1130 = tpu.memref_squeeze %dma_start3A_1129 : memref<1x50x500xf32, #tpu.memory_space<vmem>> -> memref<50x500xf32, #tpu.memory_space<vmem>>
    %dma_start3A_1131 = arith.constant 0 : i32
    %dma_start3A_1132 = arith.constant 0 : i32
    %dma_start3A_1133 = tpu.memref_slice %arg2[%add3A_1125, %dma_start3A_1131, %dma_start3A_1132] : memref<1024x50x500xf32, #tpu.memory_space<hbm>> -> memref<1x50x500xf32, #tpu.memory_space<hbm>>
    %dma_start3A_1134 = tpu.memref_squeeze %dma_start3A_1133 : memref<1x50x500xf32, #tpu.memory_space<hbm>> -> memref<50x500xf32, #tpu.memory_space<hbm>>
    %dma_start3A_1135 = arith.constant 0 : i32
    %dma_start3A_1136 = arith.constant 0 : i32
    %dma_start3A_1137 = tpu.memref_slice %arg4[%dma_start3A_1126, %dma_start3A_1135, %dma_start3A_1136] : memref<2x50x500xf32, #tpu.memory_space<vmem>> -> memref<1x50x500xf32, #tpu.memory_space<vmem>>
    %dma_start3A_1138 = tpu.memref_squeeze %dma_start3A_1137 : memref<1x50x500xf32, #tpu.memory_space<vmem>> -> memref<50x500xf32, #tpu.memory_space<vmem>>
    %dma_start3A_1139 = arith.constant 0 : i32
    %dma_start3A_1140 = arith.constant 0 : i32
    %dma_start3A_1141 = tpu.memref_slice %arg2[%add3A_1125, %dma_start3A_1139, %dma_start3A_1140] : memref<1024x50x500xf32, #tpu.memory_space<hbm>> -> memref<1x50x500xf32, #tpu.memory_space<hbm>>
    %dma_start3A_1142 = tpu.memref_squeeze %dma_start3A_1141 : memref<1x50x500xf32, #tpu.memory_space<hbm>> -> memref<50x500xf32, #tpu.memory_space<hbm>>
    tpu.enqueue_dma source(%dma_start3A_1142 : memref<50x500xf32, #tpu.memory_space<hbm>>) target(%dma_start3A_1138 : memref<50x500xf32, #tpu.memory_space<vmem>>) target_semaphore(%arg7 : memref<!tpu.dma_semaphore, #tpu.memory_space<semaphore_mem>>)
    %dma_wait3A_1143 = arith.constant 0 : i32
    %dma_wait3A_1144 = arith.constant 0 : i32
    %dma_wait3A_1145 = arith.constant 0 : i32
    %dma_wait3A_1146 = tpu.memref_slice %arg4[%dma_wait3A_1143, %dma_wait3A_1144, %dma_wait3A_1145] : memref<2x50x500xf32, #tpu.memory_space<vmem>> -> memref<1x50x500xf32, #tpu.memory_space<vmem>>
    %dma_wait3A_1147 = tpu.memref_squeeze %dma_wait3A_1146 : memref<1x50x500xf32, #tpu.memory_space<vmem>> -> memref<50x500xf32, #tpu.memory_space<vmem>>
    %dma_wait3A_1148 = arith.constant 0 : i32
    %dma_wait3A_1149 = arith.constant 0 : i32
    %dma_wait3A_1150 = tpu.memref_slice %arg2[%add3A_1079, %dma_wait3A_1148, %dma_wait3A_1149] : memref<1024x50x500xf32, #tpu.memory_space<hbm>> -> memref<1x50x500xf32, #tpu.memory_space<hbm>>
    %dma_wait3A_1151 = tpu.memref_squeeze %dma_wait3A_1150 : memref<1x50x500xf32, #tpu.memory_space<hbm>> -> memref<50x500xf32, #tpu.memory_space<hbm>>
    %dma_wait3A_1152 = arith.constant 0 : i32
    %dma_wait3A_1153 = arith.constant 0 : i32
    %dma_wait3A_1154 = tpu.memref_slice %arg4[%dma_wait3A_1143, %dma_wait3A_1152, %dma_wait3A_1153] : memref<2x50x500xf32, #tpu.memory_space<vmem>> -> memref<1x50x500xf32, #tpu.memory_space<vmem>>
    %dma_wait3A_1155 = tpu.memref_squeeze %dma_wait3A_1154 : memref<1x50x500xf32, #tpu.memory_space<vmem>> -> memref<50x500xf32, #tpu.memory_space<vmem>>
    %dma_wait3A_1156 = arith.constant 0 : i32
    %dma_wait3A_1157 = arith.constant 0 : i32
    %dma_wait3A_1158 = tpu.memref_slice %arg2[%add3A_1079, %dma_wait3A_1156, %dma_wait3A_1157] : memref<1024x50x500xf32, #tpu.memory_space<hbm>> -> memref<1x50x500xf32, #tpu.memory_space<hbm>>
    %dma_wait3A_1159 = tpu.memref_squeeze %dma_wait3A_1158 : memref<1x50x500xf32, #tpu.memory_space<hbm>> -> memref<50x500xf32, #tpu.memory_space<hbm>>
    tpu.wait_dma2 semaphore(%arg6 : memref<!tpu.dma_semaphore, #tpu.memory_space<semaphore_mem>>) src(%dma_wait3A_1159 : memref<50x500xf32, #tpu.memory_space<hbm>>) dst(%dma_wait3A_1155 : memref<50x500xf32, #tpu.memory_space<vmem>>)
    %get3A_1160 = arith.constant 0 : i32
    %get3A_1161 = arith.constant 0 : i32
    %get3A_1162 = arith.index_cast %get3A_1160 : i32 to index
    %get3A_1163 = arith.index_cast %get3A_1161 : i32 to index
    %get3A_1164 = arith.constant 0 : index
    %get3A_1165 = tpu.vector_load %arg4[%get3A_1162, %get3A_1163, %get3A_1164] {strides = array<i32>} : memref<2x50x500xf32, #tpu.memory_space<vmem>>, vector<1x1x16xf32>,
    %get3A_1166 = vector.shape_cast %get3A_1165 : vector<1x1x16xf32> to vector<16xf32>
    %add3A_1167 = arith.addf %add3A_1121, %get3A_1166 : vector<16xf32>
    %add3A_1168 = arith.constant 25 : i32
    %add3A_1169 = arith.addi %mul3A_2, %add3A_1168 : i32
    %add3A_1170 = arith.constant 1 : i32
    %add3A_1171 = arith.addi %add3A_1169, %add3A_1170 : i32
    %dma_start3A_1172 = arith.constant 0 : i32
    %dma_start3A_1173 = arith.constant 0 : i32
    %dma_start3A_1174 = arith.constant 0 : i32
    %dma_start3A_1175 = tpu.memref_slice %arg4[%dma_start3A_1172, %dma_start3A_1173, %dma_start3A_1174] : memref<2x50x500xf32, #tpu.memory_space<vmem>> -> memref<1x50x500xf32, #tpu.memory_space<vmem>>
    %dma_start3A_1176 = tpu.memref_squeeze %dma_start3A_1175 : memref<1x50x500xf32, #tpu.memory_space<vmem>> -> memref<50x500xf32, #tpu.memory_space<vmem>>
    %dma_start3A_1177 = arith.constant 0 : i32
    %dma_start3A_1178 = arith.constant 0 : i32
    %dma_start3A_1179 = tpu.memref_slice %arg2[%add3A_1171, %dma_start3A_1177, %dma_start3A_1178] : memref<1024x50x500xf32, #tpu.memory_space<hbm>> -> memref<1x50x500xf32, #tpu.memory_space<hbm>>
    %dma_start3A_1180 = tpu.memref_squeeze %dma_start3A_1179 : memref<1x50x500xf32, #tpu.memory_space<hbm>> -> memref<50x500xf32, #tpu.memory_space<hbm>>
    %dma_start3A_1181 = arith.constant 0 : i32
    %dma_start3A_1182 = arith.constant 0 : i32
    %dma_start3A_1183 = tpu.memref_slice %arg4[%dma_start3A_1172, %dma_start3A_1181, %dma_start3A_1182] : memref<2x50x500xf32, #tpu.memory_space<vmem>> -> memref<1x50x500xf32, #tpu.memory_space<vmem>>
    %dma_start3A_1184 = tpu.memref_squeeze %dma_start3A_1183 : memref<1x50x500xf32, #tpu.memory_space<vmem>> -> memref<50x500xf32, #tpu.memory_space<vmem>>
    %dma_start3A_1185 = arith.constant 0 : i32
    %dma_start3A_1186 = arith.constant 0 : i32
    %dma_start3A_1187 = tpu.memref_slice %arg2[%add3A_1171, %dma_start3A_1185, %dma_start3A_1186] : memref<1024x50x500xf32, #tpu.memory_space<hbm>> -> memref<1x50x500xf32, #tpu.memory_space<hbm>>
    %dma_start3A_1188 = tpu.memref_squeeze %dma_start3A_1187 : memref<1x50x500xf32, #tpu.memory_space<hbm>> -> memref<50x500xf32, #tpu.memory_space<hbm>>
    tpu.enqueue_dma source(%dma_start3A_1188 : memref<50x500xf32, #tpu.memory_space<hbm>>) target(%dma_start3A_1184 : memref<50x500xf32, #tpu.memory_space<vmem>>) target_semaphore(%arg6 : memref<!tpu.dma_semaphore, #tpu.memory_space<semaphore_mem>>)
    %dma_wait3A_1189 = arith.constant 1 : i32
    %dma_wait3A_1190 = arith.constant 0 : i32
    %dma_wait3A_1191 = arith.constant 0 : i32
    %dma_wait3A_1192 = tpu.memref_slice %arg4[%dma_wait3A_1189, %dma_wait3A_1190, %dma_wait3A_1191] : memref<2x50x500xf32, #tpu.memory_space<vmem>> -> memref<1x50x500xf32, #tpu.memory_space<vmem>>
    %dma_wait3A_1193 = tpu.memref_squeeze %dma_wait3A_1192 : memref<1x50x500xf32, #tpu.memory_space<vmem>> -> memref<50x500xf32, #tpu.memory_space<vmem>>
    %dma_wait3A_1194 = arith.constant 0 : i32
    %dma_wait3A_1195 = arith.constant 0 : i32
    %dma_wait3A_1196 = tpu.memref_slice %arg2[%add3A_1125, %dma_wait3A_1194, %dma_wait3A_1195] : memref<1024x50x500xf32, #tpu.memory_space<hbm>> -> memref<1x50x500xf32, #tpu.memory_space<hbm>>
    %dma_wait3A_1197 = tpu.memref_squeeze %dma_wait3A_1196 : memref<1x50x500xf32, #tpu.memory_space<hbm>> -> memref<50x500xf32, #tpu.memory_space<hbm>>
    %dma_wait3A_1198 = arith.constant 0 : i32
    %dma_wait3A_1199 = arith.constant 0 : i32
    %dma_wait3A_1200 = tpu.memref_slice %arg4[%dma_wait3A_1189, %dma_wait3A_1198, %dma_wait3A_1199] : memref<2x50x500xf32, #tpu.memory_space<vmem>> -> memref<1x50x500xf32, #tpu.memory_space<vmem>>
    %dma_wait3A_1201 = tpu.memref_squeeze %dma_wait3A_1200 : memref<1x50x500xf32, #tpu.memory_space<vmem>> -> memref<50x500xf32, #tpu.memory_space<vmem>>
    %dma_wait3A_1202 = arith.constant 0 : i32
    %dma_wait3A_1203 = arith.constant 0 : i32
    %dma_wait3A_1204 = tpu.memref_slice %arg2[%add3A_1125, %dma_wait3A_1202, %dma_wait3A_1203] : memref<1024x50x500xf32, #tpu.memory_space<hbm>> -> memref<1x50x500xf32, #tpu.memory_space<hbm>>
    %dma_wait3A_1205 = tpu.memref_squeeze %dma_wait3A_1204 : memref<1x50x500xf32, #tpu.memory_space<hbm>> -> memref<50x500xf32, #tpu.memory_space<hbm>>
    tpu.wait_dma2 semaphore(%arg7 : memref<!tpu.dma_semaphore, #tpu.memory_space<semaphore_mem>>) src(%dma_wait3A_1205 : memref<50x500xf32, #tpu.memory_space<hbm>>) dst(%dma_wait3A_1201 : memref<50x500xf32, #tpu.memory_space<vmem>>)
    %get3A_1206 = arith.constant 1 : i32
    %get3A_1207 = arith.constant 0 : i32
    %get3A_1208 = arith.index_cast %get3A_1206 : i32 to index
    %get3A_1209 = arith.index_cast %get3A_1207 : i32 to index
    %get3A_1210 = arith.constant 0 : index
    %get3A_1211 = tpu.vector_load %arg4[%get3A_1208, %get3A_1209, %get3A_1210] {strides = array<i32>} : memref<2x50x500xf32, #tpu.memory_space<vmem>>, vector<1x1x16xf32>,
    %get3A_1212 = vector.shape_cast %get3A_1211 : vector<1x1x16xf32> to vector<16xf32>
    %add3A_1213 = arith.addf %add3A_1167, %get3A_1212 : vector<16xf32>
    %add3A_1214 = arith.constant 26 : i32
    %add3A_1215 = arith.addi %mul3A_2, %add3A_1214 : i32
    %add3A_1216 = arith.constant 1 : i32
    %add3A_1217 = arith.addi %add3A_1215, %add3A_1216 : i32
    %dma_start3A_1218 = arith.constant 1 : i32
    %dma_start3A_1219 = arith.constant 0 : i32
    %dma_start3A_1220 = arith.constant 0 : i32
    %dma_start3A_1221 = tpu.memref_slice %arg4[%dma_start3A_1218, %dma_start3A_1219, %dma_start3A_1220] : memref<2x50x500xf32, #tpu.memory_space<vmem>> -> memref<1x50x500xf32, #tpu.memory_space<vmem>>
    %dma_start3A_1222 = tpu.memref_squeeze %dma_start3A_1221 : memref<1x50x500xf32, #tpu.memory_space<vmem>> -> memref<50x500xf32, #tpu.memory_space<vmem>>
    %dma_start3A_1223 = arith.constant 0 : i32
    %dma_start3A_1224 = arith.constant 0 : i32
    %dma_start3A_1225 = tpu.memref_slice %arg2[%add3A_1217, %dma_start3A_1223, %dma_start3A_1224] : memref<1024x50x500xf32, #tpu.memory_space<hbm>> -> memref<1x50x500xf32, #tpu.memory_space<hbm>>
    %dma_start3A_1226 = tpu.memref_squeeze %dma_start3A_1225 : memref<1x50x500xf32, #tpu.memory_space<hbm>> -> memref<50x500xf32, #tpu.memory_space<hbm>>
    %dma_start3A_1227 = arith.constant 0 : i32
    %dma_start3A_1228 = arith.constant 0 : i32
    %dma_start3A_1229 = tpu.memref_slice %arg4[%dma_start3A_1218, %dma_start3A_1227, %dma_start3A_1228] : memref<2x50x500xf32, #tpu.memory_space<vmem>> -> memref<1x50x500xf32, #tpu.memory_space<vmem>>
    %dma_start3A_1230 = tpu.memref_squeeze %dma_start3A_1229 : memref<1x50x500xf32, #tpu.memory_space<vmem>> -> memref<50x500xf32, #tpu.memory_space<vmem>>
    %dma_start3A_1231 = arith.constant 0 : i32
    %dma_start3A_1232 = arith.constant 0 : i32
    %dma_start3A_1233 = tpu.memref_slice %arg2[%add3A_1217, %dma_start3A_1231, %dma_start3A_1232] : memref<1024x50x500xf32, #tpu.memory_space<hbm>> -> memref<1x50x500xf32, #tpu.memory_space<hbm>>
    %dma_start3A_1234 = tpu.memref_squeeze %dma_start3A_1233 : memref<1x50x500xf32, #tpu.memory_space<hbm>> -> memref<50x500xf32, #tpu.memory_space<hbm>>
    tpu.enqueue_dma source(%dma_start3A_1234 : memref<50x500xf32, #tpu.memory_space<hbm>>) target(%dma_start3A_1230 : memref<50x500xf32, #tpu.memory_space<vmem>>) target_semaphore(%arg7 : memref<!tpu.dma_semaphore, #tpu.memory_space<semaphore_mem>>)
    %dma_wait3A_1235 = arith.constant 0 : i32
    %dma_wait3A_1236 = arith.constant 0 : i32
    %dma_wait3A_1237 = arith.constant 0 : i32
    %dma_wait3A_1238 = tpu.memref_slice %arg4[%dma_wait3A_1235, %dma_wait3A_1236, %dma_wait3A_1237] : memref<2x50x500xf32, #tpu.memory_space<vmem>> -> memref<1x50x500xf32, #tpu.memory_space<vmem>>
    %dma_wait3A_1239 = tpu.memref_squeeze %dma_wait3A_1238 : memref<1x50x500xf32, #tpu.memory_space<vmem>> -> memref<50x500xf32, #tpu.memory_space<vmem>>
    %dma_wait3A_1240 = arith.constant 0 : i32
    %dma_wait3A_1241 = arith.constant 0 : i32
    %dma_wait3A_1242 = tpu.memref_slice %arg2[%add3A_1171, %dma_wait3A_1240, %dma_wait3A_1241] : memref<1024x50x500xf32, #tpu.memory_space<hbm>> -> memref<1x50x500xf32, #tpu.memory_space<hbm>>
    %dma_wait3A_1243 = tpu.memref_squeeze %dma_wait3A_1242 : memref<1x50x500xf32, #tpu.memory_space<hbm>> -> memref<50x500xf32, #tpu.memory_space<hbm>>
    %dma_wait3A_1244 = arith.constant 0 : i32
    %dma_wait3A_1245 = arith.constant 0 : i32
    %dma_wait3A_1246 = tpu.memref_slice %arg4[%dma_wait3A_1235, %dma_wait3A_1244, %dma_wait3A_1245] : memref<2x50x500xf32, #tpu.memory_space<vmem>> -> memref<1x50x500xf32, #tpu.memory_space<vmem>>
    %dma_wait3A_1247 = tpu.memref_squeeze %dma_wait3A_1246 : memref<1x50x500xf32, #tpu.memory_space<vmem>> -> memref<50x500xf32, #tpu.memory_space<vmem>>
    %dma_wait3A_1248 = arith.constant 0 : i32
    %dma_wait3A_1249 = arith.constant 0 : i32
    %dma_wait3A_1250 = tpu.memref_slice %arg2[%add3A_1171, %dma_wait3A_1248, %dma_wait3A_1249] : memref<1024x50x500xf32, #tpu.memory_space<hbm>> -> memref<1x50x500xf32, #tpu.memory_space<hbm>>
    %dma_wait3A_1251 = tpu.memref_squeeze %dma_wait3A_1250 : memref<1x50x500xf32, #tpu.memory_space<hbm>> -> memref<50x500xf32, #tpu.memory_space<hbm>>
    tpu.wait_dma2 semaphore(%arg6 : memref<!tpu.dma_semaphore, #tpu.memory_space<semaphore_mem>>) src(%dma_wait3A_1251 : memref<50x500xf32, #tpu.memory_space<hbm>>) dst(%dma_wait3A_1247 : memref<50x500xf32, #tpu.memory_space<vmem>>)
    %get3A_1252 = arith.constant 0 : i32
    %get3A_1253 = arith.constant 0 : i32
    %get3A_1254 = arith.index_cast %get3A_1252 : i32 to index
    %get3A_1255 = arith.index_cast %get3A_1253 : i32 to index
    %get3A_1256 = arith.constant 0 : index
    %get3A_1257 = tpu.vector_load %arg4[%get3A_1254, %get3A_1255, %get3A_1256] {strides = array<i32>} : memref<2x50x500xf32, #tpu.memory_space<vmem>>, vector<1x1x16xf32>,
    %get3A_1258 = vector.shape_cast %get3A_1257 : vector<1x1x16xf32> to vector<16xf32>
    %add3A_1259 = arith.addf %add3A_1213, %get3A_1258 : vector<16xf32>
    %add3A_1260 = arith.constant 27 : i32
    %add3A_1261 = arith.addi %mul3A_2, %add3A_1260 : i32
    %add3A_1262 = arith.constant 1 : i32
    %add3A_1263 = arith.addi %add3A_1261, %add3A_1262 : i32
    %dma_start3A_1264 = arith.constant 0 : i32
    %dma_start3A_1265 = arith.constant 0 : i32
    %dma_start3A_1266 = arith.constant 0 : i32
    %dma_start3A_1267 = tpu.memref_slice %arg4[%dma_start3A_1264, %dma_start3A_1265, %dma_start3A_1266] : memref<2x50x500xf32, #tpu.memory_space<vmem>> -> memref<1x50x500xf32, #tpu.memory_space<vmem>>
    %dma_start3A_1268 = tpu.memref_squeeze %dma_start3A_1267 : memref<1x50x500xf32, #tpu.memory_space<vmem>> -> memref<50x500xf32, #tpu.memory_space<vmem>>
    %dma_start3A_1269 = arith.constant 0 : i32
    %dma_start3A_1270 = arith.constant 0 : i32
    %dma_start3A_1271 = tpu.memref_slice %arg2[%add3A_1263, %dma_start3A_1269, %dma_start3A_1270] : memref<1024x50x500xf32, #tpu.memory_space<hbm>> -> memref<1x50x500xf32, #tpu.memory_space<hbm>>
    %dma_start3A_1272 = tpu.memref_squeeze %dma_start3A_1271 : memref<1x50x500xf32, #tpu.memory_space<hbm>> -> memref<50x500xf32, #tpu.memory_space<hbm>>
    %dma_start3A_1273 = arith.constant 0 : i32
    %dma_start3A_1274 = arith.constant 0 : i32
    %dma_start3A_1275 = tpu.memref_slice %arg4[%dma_start3A_1264, %dma_start3A_1273, %dma_start3A_1274] : memref<2x50x500xf32, #tpu.memory_space<vmem>> -> memref<1x50x500xf32, #tpu.memory_space<vmem>>
    %dma_start3A_1276 = tpu.memref_squeeze %dma_start3A_1275 : memref<1x50x500xf32, #tpu.memory_space<vmem>> -> memref<50x500xf32, #tpu.memory_space<vmem>>
    %dma_start3A_1277 = arith.constant 0 : i32
    %dma_start3A_1278 = arith.constant 0 : i32
    %dma_start3A_1279 = tpu.memref_slice %arg2[%add3A_1263, %dma_start3A_1277, %dma_start3A_1278] : memref<1024x50x500xf32, #tpu.memory_space<hbm>> -> memref<1x50x500xf32, #tpu.memory_space<hbm>>
    %dma_start3A_1280 = tpu.memref_squeeze %dma_start3A_1279 : memref<1x50x500xf32, #tpu.memory_space<hbm>> -> memref<50x500xf32, #tpu.memory_space<hbm>>
    tpu.enqueue_dma source(%dma_start3A_1280 : memref<50x500xf32, #tpu.memory_space<hbm>>) target(%dma_start3A_1276 : memref<50x500xf32, #tpu.memory_space<vmem>>) target_semaphore(%arg6 : memref<!tpu.dma_semaphore, #tpu.memory_space<semaphore_mem>>)
    %dma_wait3A_1281 = arith.constant 1 : i32
    %dma_wait3A_1282 = arith.constant 0 : i32
    %dma_wait3A_1283 = arith.constant 0 : i32
    %dma_wait3A_1284 = tpu.memref_slice %arg4[%dma_wait3A_1281, %dma_wait3A_1282, %dma_wait3A_1283] : memref<2x50x500xf32, #tpu.memory_space<vmem>> -> memref<1x50x500xf32, #tpu.memory_space<vmem>>
    %dma_wait3A_1285 = tpu.memref_squeeze %dma_wait3A_1284 : memref<1x50x500xf32, #tpu.memory_space<vmem>> -> memref<50x500xf32, #tpu.memory_space<vmem>>
    %dma_wait3A_1286 = arith.constant 0 : i32
    %dma_wait3A_1287 = arith.constant 0 : i32
    %dma_wait3A_1288 = tpu.memref_slice %arg2[%add3A_1217, %dma_wait3A_1286, %dma_wait3A_1287] : memref<1024x50x500xf32, #tpu.memory_space<hbm>> -> memref<1x50x500xf32, #tpu.memory_space<hbm>>
    %dma_wait3A_1289 = tpu.memref_squeeze %dma_wait3A_1288 : memref<1x50x500xf32, #tpu.memory_space<hbm>> -> memref<50x500xf32, #tpu.memory_space<hbm>>
    %dma_wait3A_1290 = arith.constant 0 : i32
    %dma_wait3A_1291 = arith.constant 0 : i32
    %dma_wait3A_1292 = tpu.memref_slice %arg4[%dma_wait3A_1281, %dma_wait3A_1290, %dma_wait3A_1291] : memref<2x50x500xf32, #tpu.memory_space<vmem>> -> memref<1x50x500xf32, #tpu.memory_space<vmem>>
    %dma_wait3A_1293 = tpu.memref_squeeze %dma_wait3A_1292 : memref<1x50x500xf32, #tpu.memory_space<vmem>> -> memref<50x500xf32, #tpu.memory_space<vmem>>
    %dma_wait3A_1294 = arith.constant 0 : i32
    %dma_wait3A_1295 = arith.constant 0 : i32
    %dma_wait3A_1296 = tpu.memref_slice %arg2[%add3A_1217, %dma_wait3A_1294, %dma_wait3A_1295] : memref<1024x50x500xf32, #tpu.memory_space<hbm>> -> memref<1x50x500xf32, #tpu.memory_space<hbm>>
    %dma_wait3A_1297 = tpu.memref_squeeze %dma_wait3A_1296 : memref<1x50x500xf32, #tpu.memory_space<hbm>> -> memref<50x500xf32, #tpu.memory_space<hbm>>
    tpu.wait_dma2 semaphore(%arg7 : memref<!tpu.dma_semaphore, #tpu.memory_space<semaphore_mem>>) src(%dma_wait3A_1297 : memref<50x500xf32, #tpu.memory_space<hbm>>) dst(%dma_wait3A_1293 : memref<50x500xf32, #tpu.memory_space<vmem>>)
    %get3A_1298 = arith.constant 1 : i32
    %get3A_1299 = arith.constant 0 : i32
    %get3A_1300 = arith.index_cast %get3A_1298 : i32 to index
    %get3A_1301 = arith.index_cast %get3A_1299 : i32 to index
    %get3A_1302 = arith.constant 0 : index
    %get3A_1303 = tpu.vector_load %arg4[%get3A_1300, %get3A_1301, %get3A_1302] {strides = array<i32>} : memref<2x50x500xf32, #tpu.memory_space<vmem>>, vector<1x1x16xf32>,
    %get3A_1304 = vector.shape_cast %get3A_1303 : vector<1x1x16xf32> to vector<16xf32>
    %add3A_1305 = arith.addf %add3A_1259, %get3A_1304 : vector<16xf32>
    %add3A_1306 = arith.constant 28 : i32
    %add3A_1307 = arith.addi %mul3A_2, %add3A_1306 : i32
    %add3A_1308 = arith.constant 1 : i32
    %add3A_1309 = arith.addi %add3A_1307, %add3A_1308 : i32
    %dma_start3A_1310 = arith.constant 1 : i32
    %dma_start3A_1311 = arith.constant 0 : i32
    %dma_start3A_1312 = arith.constant 0 : i32
    %dma_start3A_1313 = tpu.memref_slice %arg4[%dma_start3A_1310, %dma_start3A_1311, %dma_start3A_1312] : memref<2x50x500xf32, #tpu.memory_space<vmem>> -> memref<1x50x500xf32, #tpu.memory_space<vmem>>
    %dma_start3A_1314 = tpu.memref_squeeze %dma_start3A_1313 : memref<1x50x500xf32, #tpu.memory_space<vmem>> -> memref<50x500xf32, #tpu.memory_space<vmem>>
    %dma_start3A_1315 = arith.constant 0 : i32
    %dma_start3A_1316 = arith.constant 0 : i32
    %dma_start3A_1317 = tpu.memref_slice %arg2[%add3A_1309, %dma_start3A_1315, %dma_start3A_1316] : memref<1024x50x500xf32, #tpu.memory_space<hbm>> -> memref<1x50x500xf32, #tpu.memory_space<hbm>>
    %dma_start3A_1318 = tpu.memref_squeeze %dma_start3A_1317 : memref<1x50x500xf32, #tpu.memory_space<hbm>> -> memref<50x500xf32, #tpu.memory_space<hbm>>
    %dma_start3A_1319 = arith.constant 0 : i32
    %dma_start3A_1320 = arith.constant 0 : i32
    %dma_start3A_1321 = tpu.memref_slice %arg4[%dma_start3A_1310, %dma_start3A_1319, %dma_start3A_1320] : memref<2x50x500xf32, #tpu.memory_space<vmem>> -> memref<1x50x500xf32, #tpu.memory_space<vmem>>
    %dma_start3A_1322 = tpu.memref_squeeze %dma_start3A_1321 : memref<1x50x500xf32, #tpu.memory_space<vmem>> -> memref<50x500xf32, #tpu.memory_space<vmem>>
    %dma_start3A_1323 = arith.constant 0 : i32
    %dma_start3A_1324 = arith.constant 0 : i32
    %dma_start3A_1325 = tpu.memref_slice %arg2[%add3A_1309, %dma_start3A_1323, %dma_start3A_1324] : memref<1024x50x500xf32, #tpu.memory_space<hbm>> -> memref<1x50x500xf32, #tpu.memory_space<hbm>>
    %dma_start3A_1326 = tpu.memref_squeeze %dma_start3A_1325 : memref<1x50x500xf32, #tpu.memory_space<hbm>> -> memref<50x500xf32, #tpu.memory_space<hbm>>
    tpu.enqueue_dma source(%dma_start3A_1326 : memref<50x500xf32, #tpu.memory_space<hbm>>) target(%dma_start3A_1322 : memref<50x500xf32, #tpu.memory_space<vmem>>) target_semaphore(%arg7 : memref<!tpu.dma_semaphore, #tpu.memory_space<semaphore_mem>>)
    %dma_wait3A_1327 = arith.constant 0 : i32
    %dma_wait3A_1328 = arith.constant 0 : i32
    %dma_wait3A_1329 = arith.constant 0 : i32
    %dma_wait3A_1330 = tpu.memref_slice %arg4[%dma_wait3A_1327, %dma_wait3A_1328, %dma_wait3A_1329] : memref<2x50x500xf32, #tpu.memory_space<vmem>> -> memref<1x50x500xf32, #tpu.memory_space<vmem>>
    %dma_wait3A_1331 = tpu.memref_squeeze %dma_wait3A_1330 : memref<1x50x500xf32, #tpu.memory_space<vmem>> -> memref<50x500xf32, #tpu.memory_space<vmem>>
    %dma_wait3A_1332 = arith.constant 0 : i32
    %dma_wait3A_1333 = arith.constant 0 : i32
    %dma_wait3A_1334 = tpu.memref_slice %arg2[%add3A_1263, %dma_wait3A_1332, %dma_wait3A_1333] : memref<1024x50x500xf32, #tpu.memory_space<hbm>> -> memref<1x50x500xf32, #tpu.memory_space<hbm>>
    %dma_wait3A_1335 = tpu.memref_squeeze %dma_wait3A_1334 : memref<1x50x500xf32, #tpu.memory_space<hbm>> -> memref<50x500xf32, #tpu.memory_space<hbm>>
    %dma_wait3A_1336 = arith.constant 0 : i32
    %dma_wait3A_1337 = arith.constant 0 : i32
    %dma_wait3A_1338 = tpu.memref_slice %arg4[%dma_wait3A_1327, %dma_wait3A_1336, %dma_wait3A_1337] : memref<2x50x500xf32, #tpu.memory_space<vmem>> -> memref<1x50x500xf32, #tpu.memory_space<vmem>>
    %dma_wait3A_1339 = tpu.memref_squeeze %dma_wait3A_1338 : memref<1x50x500xf32, #tpu.memory_space<vmem>> -> memref<50x500xf32, #tpu.memory_space<vmem>>
    %dma_wait3A_1340 = arith.constant 0 : i32
    %dma_wait3A_1341 = arith.constant 0 : i32
    %dma_wait3A_1342 = tpu.memref_slice %arg2[%add3A_1263, %dma_wait3A_1340, %dma_wait3A_1341] : memref<1024x50x500xf32, #tpu.memory_space<hbm>> -> memref<1x50x500xf32, #tpu.memory_space<hbm>>
    %dma_wait3A_1343 = tpu.memref_squeeze %dma_wait3A_1342 : memref<1x50x500xf32, #tpu.memory_space<hbm>> -> memref<50x500xf32, #tpu.memory_space<hbm>>
    tpu.wait_dma2 semaphore(%arg6 : memref<!tpu.dma_semaphore, #tpu.memory_space<semaphore_mem>>) src(%dma_wait3A_1343 : memref<50x500xf32, #tpu.memory_space<hbm>>) dst(%dma_wait3A_1339 : memref<50x500xf32, #tpu.memory_space<vmem>>)
    %get3A_1344 = arith.constant 0 : i32
    %get3A_1345 = arith.constant 0 : i32
    %get3A_1346 = arith.index_cast %get3A_1344 : i32 to index
    %get3A_1347 = arith.index_cast %get3A_1345 : i32 to index
    %get3A_1348 = arith.constant 0 : index
    %get3A_1349 = tpu.vector_load %arg4[%get3A_1346, %get3A_1347, %get3A_1348] {strides = array<i32>} : memref<2x50x500xf32, #tpu.memory_space<vmem>>, vector<1x1x16xf32>,
    %get3A_1350 = vector.shape_cast %get3A_1349 : vector<1x1x16xf32> to vector<16xf32>
    %add3A_1351 = arith.addf %add3A_1305, %get3A_1350 : vector<16xf32>
    %add3A_1352 = arith.constant 29 : i32
    %add3A_1353 = arith.addi %mul3A_2, %add3A_1352 : i32
    %add3A_1354 = arith.constant 1 : i32
    %add3A_1355 = arith.addi %add3A_1353, %add3A_1354 : i32
    %dma_start3A_1356 = arith.constant 0 : i32
    %dma_start3A_1357 = arith.constant 0 : i32
    %dma_start3A_1358 = arith.constant 0 : i32
    %dma_start3A_1359 = tpu.memref_slice %arg4[%dma_start3A_1356, %dma_start3A_1357, %dma_start3A_1358] : memref<2x50x500xf32, #tpu.memory_space<vmem>> -> memref<1x50x500xf32, #tpu.memory_space<vmem>>
    %dma_start3A_1360 = tpu.memref_squeeze %dma_start3A_1359 : memref<1x50x500xf32, #tpu.memory_space<vmem>> -> memref<50x500xf32, #tpu.memory_space<vmem>>
    %dma_start3A_1361 = arith.constant 0 : i32
    %dma_start3A_1362 = arith.constant 0 : i32
    %dma_start3A_1363 = tpu.memref_slice %arg2[%add3A_1355, %dma_start3A_1361, %dma_start3A_1362] : memref<1024x50x500xf32, #tpu.memory_space<hbm>> -> memref<1x50x500xf32, #tpu.memory_space<hbm>>
    %dma_start3A_1364 = tpu.memref_squeeze %dma_start3A_1363 : memref<1x50x500xf32, #tpu.memory_space<hbm>> -> memref<50x500xf32, #tpu.memory_space<hbm>>
    %dma_start3A_1365 = arith.constant 0 : i32
    %dma_start3A_1366 = arith.constant 0 : i32
    %dma_start3A_1367 = tpu.memref_slice %arg4[%dma_start3A_1356, %dma_start3A_1365, %dma_start3A_1366] : memref<2x50x500xf32, #tpu.memory_space<vmem>> -> memref<1x50x500xf32, #tpu.memory_space<vmem>>
    %dma_start3A_1368 = tpu.memref_squeeze %dma_start3A_1367 : memref<1x50x500xf32, #tpu.memory_space<vmem>> -> memref<50x500xf32, #tpu.memory_space<vmem>>
    %dma_start3A_1369 = arith.constant 0 : i32
    %dma_start3A_1370 = arith.constant 0 : i32
    %dma_start3A_1371 = tpu.memref_slice %arg2[%add3A_1355, %dma_start3A_1369, %dma_start3A_1370] : memref<1024x50x500xf32, #tpu.memory_space<hbm>> -> memref<1x50x500xf32, #tpu.memory_space<hbm>>
    %dma_start3A_1372 = tpu.memref_squeeze %dma_start3A_1371 : memref<1x50x500xf32, #tpu.memory_space<hbm>> -> memref<50x500xf32, #tpu.memory_space<hbm>>
    tpu.enqueue_dma source(%dma_start3A_1372 : memref<50x500xf32, #tpu.memory_space<hbm>>) target(%dma_start3A_1368 : memref<50x500xf32, #tpu.memory_space<vmem>>) target_semaphore(%arg6 : memref<!tpu.dma_semaphore, #tpu.memory_space<semaphore_mem>>)
    %dma_wait3A_1373 = arith.constant 1 : i32
    %dma_wait3A_1374 = arith.constant 0 : i32
    %dma_wait3A_1375 = arith.constant 0 : i32
    %dma_wait3A_1376 = tpu.memref_slice %arg4[%dma_wait3A_1373, %dma_wait3A_1374, %dma_wait3A_1375] : memref<2x50x500xf32, #tpu.memory_space<vmem>> -> memref<1x50x500xf32, #tpu.memory_space<vmem>>
    %dma_wait3A_1377 = tpu.memref_squeeze %dma_wait3A_1376 : memref<1x50x500xf32, #tpu.memory_space<vmem>> -> memref<50x500xf32, #tpu.memory_space<vmem>>
    %dma_wait3A_1378 = arith.constant 0 : i32
    %dma_wait3A_1379 = arith.constant 0 : i32
    %dma_wait3A_1380 = tpu.memref_slice %arg2[%add3A_1309, %dma_wait3A_1378, %dma_wait3A_1379] : memref<1024x50x500xf32, #tpu.memory_space<hbm>> -> memref<1x50x500xf32, #tpu.memory_space<hbm>>
    %dma_wait3A_1381 = tpu.memref_squeeze %dma_wait3A_1380 : memref<1x50x500xf32, #tpu.memory_space<hbm>> -> memref<50x500xf32, #tpu.memory_space<hbm>>
    %dma_wait3A_1382 = arith.constant 0 : i32
    %dma_wait3A_1383 = arith.constant 0 : i32
    %dma_wait3A_1384 = tpu.memref_slice %arg4[%dma_wait3A_1373, %dma_wait3A_1382, %dma_wait3A_1383] : memref<2x50x500xf32, #tpu.memory_space<vmem>> -> memref<1x50x500xf32, #tpu.memory_space<vmem>>
    %dma_wait3A_1385 = tpu.memref_squeeze %dma_wait3A_1384 : memref<1x50x500xf32, #tpu.memory_space<vmem>> -> memref<50x500xf32, #tpu.memory_space<vmem>>
    %dma_wait3A_1386 = arith.constant 0 : i32
    %dma_wait3A_1387 = arith.constant 0 : i32
    %dma_wait3A_1388 = tpu.memref_slice %arg2[%add3A_1309, %dma_wait3A_1386, %dma_wait3A_1387] : memref<1024x50x500xf32, #tpu.memory_space<hbm>> -> memref<1x50x500xf32, #tpu.memory_space<hbm>>
    %dma_wait3A_1389 = tpu.memref_squeeze %dma_wait3A_1388 : memref<1x50x500xf32, #tpu.memory_space<hbm>> -> memref<50x500xf32, #tpu.memory_space<hbm>>
    tpu.wait_dma2 semaphore(%arg7 : memref<!tpu.dma_semaphore, #tpu.memory_space<semaphore_mem>>) src(%dma_wait3A_1389 : memref<50x500xf32, #tpu.memory_space<hbm>>) dst(%dma_wait3A_1385 : memref<50x500xf32, #tpu.memory_space<vmem>>)
    %get3A_1390 = arith.constant 1 : i32
    %get3A_1391 = arith.constant 0 : i32
    %get3A_1392 = arith.index_cast %get3A_1390 : i32 to index
    %get3A_1393 = arith.index_cast %get3A_1391 : i32 to index
    %get3A_1394 = arith.constant 0 : index
    %get3A_1395 = tpu.vector_load %arg4[%get3A_1392, %get3A_1393, %get3A_1394] {strides = array<i32>} : memref<2x50x500xf32, #tpu.memory_space<vmem>>, vector<1x1x16xf32>,
    %get3A_1396 = vector.shape_cast %get3A_1395 : vector<1x1x16xf32> to vector<16xf32>
    %add3A_1397 = arith.addf %add3A_1351, %get3A_1396 : vector<16xf32>
    %add3A_1398 = arith.constant 30 : i32
    %add3A_1399 = arith.addi %mul3A_2, %add3A_1398 : i32
    %add3A_1400 = arith.constant 1 : i32
    %add3A_1401 = arith.addi %add3A_1399, %add3A_1400 : i32
    %dma_start3A_1402 = arith.constant 1 : i32
    %dma_start3A_1403 = arith.constant 0 : i32
    %dma_start3A_1404 = arith.constant 0 : i32
    %dma_start3A_1405 = tpu.memref_slice %arg4[%dma_start3A_1402, %dma_start3A_1403, %dma_start3A_1404] : memref<2x50x500xf32, #tpu.memory_space<vmem>> -> memref<1x50x500xf32, #tpu.memory_space<vmem>>
    %dma_start3A_1406 = tpu.memref_squeeze %dma_start3A_1405 : memref<1x50x500xf32, #tpu.memory_space<vmem>> -> memref<50x500xf32, #tpu.memory_space<vmem>>
    %dma_start3A_1407 = arith.constant 0 : i32
    %dma_start3A_1408 = arith.constant 0 : i32
    %dma_start3A_1409 = tpu.memref_slice %arg2[%add3A_1401, %dma_start3A_1407, %dma_start3A_1408] : memref<1024x50x500xf32, #tpu.memory_space<hbm>> -> memref<1x50x500xf32, #tpu.memory_space<hbm>>
    %dma_start3A_1410 = tpu.memref_squeeze %dma_start3A_1409 : memref<1x50x500xf32, #tpu.memory_space<hbm>> -> memref<50x500xf32, #tpu.memory_space<hbm>>
    %dma_start3A_1411 = arith.constant 0 : i32
    %dma_start3A_1412 = arith.constant 0 : i32
    %dma_start3A_1413 = tpu.memref_slice %arg4[%dma_start3A_1402, %dma_start3A_1411, %dma_start3A_1412] : memref<2x50x500xf32, #tpu.memory_space<vmem>> -> memref<1x50x500xf32, #tpu.memory_space<vmem>>
    %dma_start3A_1414 = tpu.memref_squeeze %dma_start3A_1413 : memref<1x50x500xf32, #tpu.memory_space<vmem>> -> memref<50x500xf32, #tpu.memory_space<vmem>>
    %dma_start3A_1415 = arith.constant 0 : i32
    %dma_start3A_1416 = arith.constant 0 : i32
    %dma_start3A_1417 = tpu.memref_slice %arg2[%add3A_1401, %dma_start3A_1415, %dma_start3A_1416] : memref<1024x50x500xf32, #tpu.memory_space<hbm>> -> memref<1x50x500xf32, #tpu.memory_space<hbm>>
    %dma_start3A_1418 = tpu.memref_squeeze %dma_start3A_1417 : memref<1x50x500xf32, #tpu.memory_space<hbm>> -> memref<50x500xf32, #tpu.memory_space<hbm>>
    tpu.enqueue_dma source(%dma_start3A_1418 : memref<50x500xf32, #tpu.memory_space<hbm>>) target(%dma_start3A_1414 : memref<50x500xf32, #tpu.memory_space<vmem>>) target_semaphore(%arg7 : memref<!tpu.dma_semaphore, #tpu.memory_space<semaphore_mem>>)
    %dma_wait3A_1419 = arith.constant 0 : i32
    %dma_wait3A_1420 = arith.constant 0 : i32
    %dma_wait3A_1421 = arith.constant 0 : i32
    %dma_wait3A_1422 = tpu.memref_slice %arg4[%dma_wait3A_1419, %dma_wait3A_1420, %dma_wait3A_1421] : memref<2x50x500xf32, #tpu.memory_space<vmem>> -> memref<1x50x500xf32, #tpu.memory_space<vmem>>
    %dma_wait3A_1423 = tpu.memref_squeeze %dma_wait3A_1422 : memref<1x50x500xf32, #tpu.memory_space<vmem>> -> memref<50x500xf32, #tpu.memory_space<vmem>>
    %dma_wait3A_1424 = arith.constant 0 : i32
    %dma_wait3A_1425 = arith.constant 0 : i32
    %dma_wait3A_1426 = tpu.memref_slice %arg2[%add3A_1355, %dma_wait3A_1424, %dma_wait3A_1425] : memref<1024x50x500xf32, #tpu.memory_space<hbm>> -> memref<1x50x500xf32, #tpu.memory_space<hbm>>
    %dma_wait3A_1427 = tpu.memref_squeeze %dma_wait3A_1426 : memref<1x50x500xf32, #tpu.memory_space<hbm>> -> memref<50x500xf32, #tpu.memory_space<hbm>>
    %dma_wait3A_1428 = arith.constant 0 : i32
    %dma_wait3A_1429 = arith.constant 0 : i32
    %dma_wait3A_1430 = tpu.memref_slice %arg4[%dma_wait3A_1419, %dma_wait3A_1428, %dma_wait3A_1429] : memref<2x50x500xf32, #tpu.memory_space<vmem>> -> memref<1x50x500xf32, #tpu.memory_space<vmem>>
    %dma_wait3A_1431 = tpu.memref_squeeze %dma_wait3A_1430 : memref<1x50x500xf32, #tpu.memory_space<vmem>> -> memref<50x500xf32, #tpu.memory_space<vmem>>
    %dma_wait3A_1432 = arith.constant 0 : i32
    %dma_wait3A_1433 = arith.constant 0 : i32
    %dma_wait3A_1434 = tpu.memref_slice %arg2[%add3A_1355, %dma_wait3A_1432, %dma_wait3A_1433] : memref<1024x50x500xf32, #tpu.memory_space<hbm>> -> memref<1x50x500xf32, #tpu.memory_space<hbm>>
    %dma_wait3A_1435 = tpu.memref_squeeze %dma_wait3A_1434 : memref<1x50x500xf32, #tpu.memory_space<hbm>> -> memref<50x500xf32, #tpu.memory_space<hbm>>
    tpu.wait_dma2 semaphore(%arg6 : memref<!tpu.dma_semaphore, #tpu.memory_space<semaphore_mem>>) src(%dma_wait3A_1435 : memref<50x500xf32, #tpu.memory_space<hbm>>) dst(%dma_wait3A_1431 : memref<50x500xf32, #tpu.memory_space<vmem>>)
    %get3A_1436 = arith.constant 0 : i32
    %get3A_1437 = arith.constant 0 : i32
    %get3A_1438 = arith.index_cast %get3A_1436 : i32 to index
    %get3A_1439 = arith.index_cast %get3A_1437 : i32 to index
    %get3A_1440 = arith.constant 0 : index
    %get3A_1441 = tpu.vector_load %arg4[%get3A_1438, %get3A_1439, %get3A_1440] {strides = array<i32>} : memref<2x50x500xf32, #tpu.memory_space<vmem>>, vector<1x1x16xf32>,
    %get3A_1442 = vector.shape_cast %get3A_1441 : vector<1x1x16xf32> to vector<16xf32>
    %add3A_1443 = arith.addf %add3A_1397, %get3A_1442 : vector<16xf32>
    %dma_wait3A_1444 = arith.constant 1 : i32
    %dma_wait3A_1445 = arith.constant 0 : i32
    %dma_wait3A_1446 = arith.constant 0 : i32
    %dma_wait3A_1447 = tpu.memref_slice %arg4[%dma_wait3A_1444, %dma_wait3A_1445, %dma_wait3A_1446] : memref<2x50x500xf32, #tpu.memory_space<vmem>> -> memref<1x50x500xf32, #tpu.memory_space<vmem>>
    %dma_wait3A_1448 = tpu.memref_squeeze %dma_wait3A_1447 : memref<1x50x500xf32, #tpu.memory_space<vmem>> -> memref<50x500xf32, #tpu.memory_space<vmem>>
    %dma_wait3A_1449 = arith.constant 0 : i32
    %dma_wait3A_1450 = arith.constant 0 : i32
    %dma_wait3A_1451 = tpu.memref_slice %arg2[%add3A_1401, %dma_wait3A_1449, %dma_wait3A_1450] : memref<1024x50x500xf32, #tpu.memory_space<hbm>> -> memref<1x50x500xf32, #tpu.memory_space<hbm>>
    %dma_wait3A_1452 = tpu.memref_squeeze %dma_wait3A_1451 : memref<1x50x500xf32, #tpu.memory_space<hbm>> -> memref<50x500xf32, #tpu.memory_space<hbm>>
    %dma_wait3A_1453 = arith.constant 0 : i32
    %dma_wait3A_1454 = arith.constant 0 : i32
    %dma_wait3A_1455 = tpu.memref_slice %arg4[%dma_wait3A_1444, %dma_wait3A_1453, %dma_wait3A_1454] : memref<2x50x500xf32, #tpu.memory_space<vmem>> -> memref<1x50x500xf32, #tpu.memory_space<vmem>>
    %dma_wait3A_1456 = tpu.memref_squeeze %dma_wait3A_1455 : memref<1x50x500xf32, #tpu.memory_space<vmem>> -> memref<50x500xf32, #tpu.memory_space<vmem>>
    %dma_wait3A_1457 = arith.constant 0 : i32
    %dma_wait3A_1458 = arith.constant 0 : i32
    %dma_wait3A_1459 = tpu.memref_slice %arg2[%add3A_1401, %dma_wait3A_1457, %dma_wait3A_1458] : memref<1024x50x500xf32, #tpu.memory_space<hbm>> -> memref<1x50x500xf32, #tpu.memory_space<hbm>>
    %dma_wait3A_1460 = tpu.memref_squeeze %dma_wait3A_1459 : memref<1x50x500xf32, #tpu.memory_space<hbm>> -> memref<50x500xf32, #tpu.memory_space<hbm>>
    tpu.wait_dma2 semaphore(%arg7 : memref<!tpu.dma_semaphore, #tpu.memory_space<semaphore_mem>>) src(%dma_wait3A_1460 : memref<50x500xf32, #tpu.memory_space<hbm>>) dst(%dma_wait3A_1456 : memref<50x500xf32, #tpu.memory_space<vmem>>)
    %get3A_1461 = arith.constant 1 : i32
    %get3A_1462 = arith.constant 0 : i32
    %get3A_1463 = arith.index_cast %get3A_1461 : i32 to index
    %get3A_1464 = arith.index_cast %get3A_1462 : i32 to index
    %get3A_1465 = arith.constant 0 : index
    %get3A_1466 = tpu.vector_load %arg4[%get3A_1463, %get3A_1464, %get3A_1465] {strides = array<i32>} : memref<2x50x500xf32, #tpu.memory_space<vmem>>, vector<1x1x16xf32>,
    %get3A_1467 = vector.shape_cast %get3A_1466 : vector<1x1x16xf32> to vector<16xf32>
    %add3A_1468 = arith.addf %add3A_1443, %get3A_1467 : vector<16xf32>
    %swap3A = arith.constant 0 : index
    %swap3A_1469 = tpu.vector_load %arg5[%swap3A] {strides = array<i32>} : memref<16xf32, #tpu.memory_space<vmem>>, vector<16xf32>,
    %swap3A_1470 = vector.shape_cast %swap3A_1469 : vector<16xf32> to vector<16xf32>
    %swap3A_1471 = vector.shape_cast %add3A_1468 : vector<16xf32> to vector<16xf32>
    tpu.vector_store %arg5[%swap3A], %swap3A_1471 {strides = array<i32>} : memref<16xf32, #tpu.memory_space<vmem>>, vector<16xf32>,
    "tpu.region"() ({
      %run_scoped3A = tpu.sem_alloc : memref<!tpu.dma_semaphore, #tpu.memory_space<semaphore_mem>>
      %dma_start3A_1472 = arith.constant 0 : i32
      %dma_start3A_1473 = tpu.memref_slice %arg3[%add3A, %dma_start3A_1472] : memref<32x16xf32, #tpu.memory_space<hbm>> -> memref<1x16xf32, #tpu.memory_space<hbm>>
      %dma_start3A_1474 = tpu.memref_squeeze %dma_start3A_1473 : memref<1x16xf32, #tpu.memory_space<hbm>> -> memref<16xf32, #tpu.memory_space<hbm>>
      %dma_start3A_1475 = arith.constant 0 : i32
      %dma_start3A_1476 = tpu.memref_slice %arg3[%add3A, %dma_start3A_1475] : memref<32x16xf32, #tpu.memory_space<hbm>> -> memref<1x16xf32, #tpu.memory_space<hbm>>
      %dma_start3A_1477 = tpu.memref_squeeze %dma_start3A_1476 : memref<1x16xf32, #tpu.memory_space<hbm>> -> memref<16xf32, #tpu.memory_space<hbm>>
      tpu.enqueue_dma source(%arg5 : memref<16xf32, #tpu.memory_space<vmem>>) target(%dma_start3A_1477 : memref<16xf32, #tpu.memory_space<hbm>>) target_semaphore(%run_scoped3A : memref<!tpu.dma_semaphore, #tpu.memory_space<semaphore_mem>>)
      %dma_wait3A_1478 = arith.constant 0 : i32
      %dma_wait3A_1479 = tpu.memref_slice %arg3[%add3A, %dma_wait3A_1478] : memref<32x16xf32, #tpu.memory_space<hbm>> -> memref<1x16xf32, #tpu.memory_space<hbm>>
      %dma_wait3A_1480 = tpu.memref_squeeze %dma_wait3A_1479 : memref<1x16xf32, #tpu.memory_space<hbm>> -> memref<16xf32, #tpu.memory_space<hbm>>
      %dma_wait3A_1481 = arith.constant 0 : i32
      %dma_wait3A_1482 = tpu.memref_slice %arg3[%add3A, %dma_wait3A_1481] : memref<32x16xf32, #tpu.memory_space<hbm>> -> memref<1x16xf32, #tpu.memory_space<hbm>>
      %dma_wait3A_1483 = tpu.memref_squeeze %dma_wait3A_1482 : memref<1x16xf32, #tpu.memory_space<hbm>> -> memref<16xf32, #tpu.memory_space<hbm>>
      tpu.wait_dma2 semaphore(%run_scoped3A : memref<!tpu.dma_semaphore, #tpu.memory_space<semaphore_mem>>) src(%arg5 : memref<16xf32, #tpu.memory_space<vmem>>) dst(%dma_wait3A_1483 : memref<16xf32, #tpu.memory_space<hbm>>)
      tpu.yield
    }) : () -> ()
    return
  }
}

</mosaic_0001>

<sc_bundles>
// kernel: kernel.3.cloned.1.call-start
scs
__scs_entry_jumppad:
0x0: {  	(pc) =	sbr.rel $0x88, $3  }
0x1: {  	(tag) =	ssettag $0x0;
	lr =	simm.s32 $0x1  }
0x2: {  	[smem:$0x3F9F] =	sst lr;
	_ =	strace $0xD0000000  }
0x3: {  	_ = 	snop  }
0x4: {  	_ = 	snop  }
0x5: {  	_ = 	snop  }
0x6: {  	_ = 	snop  }
0x7: {  	_ = 	snop  }
__scs_overlays_trampoline_lowered:
0x8: {  	[smem:$0x3FAE] =	sst s0  }
0x9: {  	[smem:$0x3FAF] =	sst s1  }
0xa: {  	[smem:$0x3FB0] =	sst s2  }
0xb: {  	[smem:$0x3FB1] =	sst s3  }
0xc: {  	[smem:$0x3FB2] =	sst s4  }
0xd: {  	[smem:$0x3FB3] =	sst s5  }
0xe: {  	[smem:$0x3FB4] =	sst s6  }
0xf: {  	[smem:$0x3FB5] =	sst s7  }
0x10: {  	[smem:$0x3FB6] =	sst s8  }
0x11: {  	[smem:$0x3FB7] =	sst s9;
	s0 =	simm.s32 @!p0 $0x0  }
0x12: {  	s1 =	sld [smem:$0x3F9D];
	s0 =	simm.s32 @p0 $0x1  }
0x13: {  	[smem:$0x3FB8] =	sst s0;
	s0 =	simm.s32 @!p1 $0x0  }
0x14: {  	s2 =	sld [smem:$0x3F9C];
	s0 =	simm.s32 @p1 $0x1  }
0x15: {  	[smem:$0x3FB9] =	sst s0;
	s0 =	simm.s32 @!p2 $0x0  }
0x16: {  	s3 =	sld [smem:$0x3FDB];
	s0 =	simm.s32 @p2 $0x1  }
0x17: {  	s4 =	simm.s32 $0x1BF5;
	[smem:$0x3FBB] =	sst s0  }
0x18: {  	s0 =	sld [smem:$0x3F9E];
	_ =	swait.ge [sflag:s4], $0x0  }
0x19: {  	s7 =	sld [smem:$0x3F9F]  }
0x1a: {  	s8 =	sadd.s32 $0xFFFFE003, lr  }
0x1b: {  	s9 =	sadd.s32 $0xFFFFFEF7, lr;
	s5 =	simm.s32 $0xFFFFFFFF;
	p2 =	slt.u32 s8, $0xFFFFF086  }
0x1c: {  	p1 =	slt.u32 s9, $0xF7A;
	s5 =	simm.s32 @!p2 $0x0  }
0x1d: {  	s5 =	simm.s32 @p1 $0x1;
	p0 =	seq.s32 s7, s2  }
0x1e: {  	s7 =	smul.u32 @!p0 $0xF7A, s2;
	p2 =	seq.s32 @!p0 s5, $0x0  }
0x1f: {  	s9 =	smul.u32 $0xF7A, s1;
	s8 =	simm.s32 @!p0 $0x1BF5;
	p2 =	por !p2, p0  }
0x20: {  	[sflag:s8] =	ssyncset.s32 @!p0 $0xFFFFF086;
	s6 =	sadd.s32 @!p0 s3, s7;
	s7 =	simm.s32 @!p0 $0x108  }
0x21: {  	s3 =	sadd.s32 s3, s9;
	s6 =	sadd.s32 @!p0 $0x88, s6;
	s7 =	simm.s32 @p2 $0x1082  }
0x22: {  	[simem:s7], [sflag:s8] =	dma.local @!p0 [hbm:s6], $0xF7A  }
0x23: {  	s9 =	sor.u32 $0xD0000000, s2;
	s6 =	simm.s32 $0x108;
	_ =	swait.ge @!p0 [sflag:s8], $0x0  }
0x24: {  	s3 =	sadd.s32 $0x88, s3;
	s6 =	simm.s32 @!p1 $0x1082;
	[sflag:s4] =	ssyncset.s32 $0xFFFFF086  }
0x25: {  	[simem:s6], [sflag:s4] =	dma.local [hbm:s3], $0xF7A  }
0x26: {  	[smem:$0x3F9F] =	sst s1;
	(tag) =	ssettag s2;
	_ =	strace s9  }
0x27: {  	s1 =	sld [smem:$0x3FAF]  }
0x28: {  	s2 =	sld [smem:$0x3FB0]  }
0x29: {  	s4 =	sld [smem:$0x3FB2]  }
0x2a: {  	p0 =	seq.s32 s5, $0x0;
	s5 =	sld [smem:$0x3FB3]  }
0x2b: {  	s6 =	sld [smem:$0x3FB4]  }
0x2c: {  	s7 =	sld [smem:$0x3FB5]  }
0x2d: {  	s3 =	simm.s32 $0x108;
	s8 =	sld [smem:$0x3FB6]  }
0x2e: {  	s3 =	simm.s32 @!p0 $0x1082;
	s9 =	sld [smem:$0x3FB7]  }
0x2f: {  	lr =	sadd.s32 s0, s3;
	s0 =	sld [smem:$0x3FAE]  }
0x30: {  	s3 =	sld [smem:$0x3FB1]  }
0x31: {  	[smem:$0x3FBA] =	sst s10  }
0x32: {  	s10 =	sld [smem:$0x3FB8];
	_ =	sdelay $0x3  }
0x33: {  	p0 =	seq.s32 s10, $0x1;
	s10 =	sld [smem:$0x3FBA];
	_ =	sdelay $0x3  }
0x34: {  	[smem:$0x3FBA] =	sst s10  }
0x35: {  	s10 =	sld [smem:$0x3FB9];
	_ =	sdelay $0x3  }
0x36: {  	p1 =	seq.s32 s10, $0x1;
	s10 =	sld [smem:$0x3FBA];
	_ =	sdelay $0x3  }
0x37: {  	[smem:$0x3FBA] =	sst s10  }
0x38: {  	s10 =	sld [smem:$0x3FBB]  }
0x39: {  	_ = 	snop;
	(pc) =	sbr.ind lr, $3  }
0x3a: {  	_ = 	snop  }
0x3b: {  	_ = 	snop  }
0x3c: {  	p2 =	seq.s32 s10, $0x1;
	s10 =	sld [smem:$0x3FBA]  }
0x3d: {  	_ =	shalt  }
0x3e: {  	_ =	shalt  }
0x3f: {  	_ =	shalt  }
0x40: {  	_ =	shalt  }
0x41: {  	_ =	shalt  }
0x42: {  	_ =	shalt  }
0x43: {  	_ =	shalt  }
0x44: {  	_ =	shalt  }
0x45: {  	_ =	shalt  }
0x46: {  	_ =	shalt  }
0x47: {  	_ =	shalt  }
0x48: {  	_ =	shalt  }
0x49: {  	_ =	shalt  }
0x4a: {  	_ =	shalt  }
0x4b: {  	_ =	shalt  }
0x4c: {  	_ =	shalt  }
0x4d: {  	_ =	shalt  }
0x4e: {  	_ =	shalt  }
0x4f: {  	_ =	shalt  }
0x50: {  	_ =	shalt  }
0x51: {  	_ =	shalt  }
0x52: {  	_ =	shalt  }
0x53: {  	_ =	shalt  }
0x54: {  	_ =	shalt  }
0x55: {  	_ =	shalt  }
0x56: {  	_ =	shalt  }
0x57: {  	_ =	shalt  }
0x58: {  	_ =	shalt  }
0x59: {  	_ =	shalt  }
0x5a: {  	_ =	shalt  }
0x5b: {  	_ =	shalt  }
0x5c: {  	_ =	shalt  }
0x5d: {  	_ =	shalt  }
0x5e: {  	_ =	shalt  }
0x5f: {  	_ =	shalt  }
0x60: {  	_ =	shalt  }
0x61: {  	_ =	shalt  }
0x62: {  	_ =	shalt  }
0x63: {  	_ =	shalt  }
0x64: {  	_ =	shalt  }
0x65: {  	_ =	shalt  }
0x66: {  	_ =	shalt  }
0x67: {  	_ =	shalt  }
0x68: {  	_ =	shalt  }
0x69: {  	_ =	shalt  }
0x6a: {  	_ =	shalt  }
0x6b: {  	_ =	shalt  }
0x6c: {  	_ =	shalt  }
0x6d: {  	_ =	shalt  }
0x6e: {  	_ =	shalt  }
0x6f: {  	_ =	shalt  }
0x70: {  	_ =	shalt  }
0x71: {  	_ =	shalt  }
0x72: {  	_ =	shalt  }
0x73: {  	_ =	shalt  }
0x74: {  	_ =	shalt  }
0x75: {  	_ =	shalt  }
0x76: {  	_ =	shalt  }
0x77: {  	_ =	shalt  }
0x78: {  	_ =	shalt  }
0x79: {  	_ =	shalt  }
0x7a: {  	_ =	shalt  }
0x7b: {  	_ =	shalt  }
0x7c: {  	_ =	shalt  }
0x7d: {  	_ =	shalt  }
0x7e: {  	_ =	shalt  }
0x7f: {  	_ =	shalt  }
0x80: {  	_ =	shalt  }
0x81: {  	_ =	shalt  }
0x82: {  	_ =	shalt  }
0x83: {  	_ =	shalt  }
0x84: {  	_ =	shalt  }
0x85: {  	_ =	shalt  }
0x86: {  	_ =	shalt  }
0x87: {  	_ =	shalt  }
.Lfunc_end0:
.L_simem_size_0:
called_computation_lowered:
.L_overlay_start_0:
0x88: {  	s2 =	sld [smem:$0x3FD9]  }
0x89: {  	s3 =	sld [smem:$0x3FFE];
	_ =	sdelay $0x1  }
0x8a: {  	s1 =	srdreg.scid  }
0x8b: {  	s0 =	sand.u32 $0x1, s1  }
0x8c: {  	s14 =	sshll.u32 s0, $0xA;
	s2 =	sadd.s32 s3, s2  }
0x8d: {  	s2 =	sadd.s32 s2, s14  }
0x8e: {  	[smem:$0x3FC6] =	sst s2  }
0x8f: {  	_ = 	snop  }
0x90: {  	s2 =	sld [smem:$0x3FD0];
	_ =	sdelay $0x2  }
0x91: {  	s15 =	simm.s32 $0xA;
	s4 =	simm.s32 $0x10  }
0x92: {  	[smem:s4], [sflag:s15] =	dma.local [hbm:s2], $0x1  }
0x93: {  	_ =	swait.eq [sflag:s15], $0x1  }
0x94: {  	[sflag:s15] =	ssyncset.done $0x0  }
0x95: {  	[sflag:s15] =	ssyncadd.s32 $0xFFFFFFFF  }
0x96: {  	s16 =	sld [smem:$0x11];
	(tm) =	ssettm $0x1  }
0x97: {  	s17 =	sld [smem:$0x3FFB];
	_ =	sdelay $0x3  }
0x98: {  	_ =	strace s17  }
0x99: {  	s3 =	sld [smem:$0x3FFC];
	_ =	sdelay $0x3  }
0x9a: {  	_ =	strace s3  }
0x9b: {  	s3 =	sld [smem:$0x3FFD];
	_ =	sdelay $0x3  }
0x9c: {  	_ =	strace s3  }
0x9d: {  	_ =	strace $0x8FFFFFFF  }
0x9e: {  	s18 =	sld [smem:$0x3FDB];
	_ =	sdelay $0x1  }
0x9f: {  	s19 =	simm.s32 $_scs_section_size  }
0xa0: {  	s5 =	simm.s32 $_size__tile_overlayer_lowered;
	s6 =	simm.s32 $_tile_overlayer_lowered  }
0xa1: {  	s22 =	simm.s32 $0x1BFF;
	s21 =	sshll.u32 s6, $0x1;
	s3 =	sadd.s32 s19, s18  }
0xa2: {  	s7 =	simm.s32 $0x0;
	s20 =	sshll.u32 s5, $0x1;
	s5 =	sadd.s32 s21, s3  }
0xa3: {  	[timem:s7], [sflag:s22] =	dma.local [hbm:s5], s20  }
0xa4: {  	_ =	swait.ge [sflag:s22], s20  }
0xa5: {  	s4 =	ssub.s32 $0x0, s20;
	[sflag:s22] =	ssyncset.done $0x0  }
0xa6: {  	[sflag:s22] =	ssyncadd.s32 s4;
	_ =	sdelay $0x1  }
0xa7: {  	s23 =	simm.s32 $0x1B8B  }
0xa8: {  	_ =	swait.ge [sflag:s23], $0x1  }
0xa9: {  	[sflag:s23] =	ssyncset.done $0x0  }
0xaa: {  	s25 =	simm.s32 $0x1B8E;
	s24 =	sld [smem:$0x3FFE];
	[sflag:s23] =	ssyncadd.s32 $0xFFFFFFFF  }
0xab: {  	s26 =	simm.s32 $execute0_lowered;
	[smem:$0x3FD2] =	sst s25  }
0xac: {  	s5 =	sshll.u32 s26, $0x1;
	_ =	strace $0x80000046;
	[dreg:$0x1] =	wrdreg $0xFFFFFFFF  }
0xad: {  	s28 =	simm.s32 $_size_execute0_lowered;
	s3 =	sadd.s32 s3, s5;
	[dreg:$0x0] =	wrdreg $0x0  }
0xae: {  	s5 =	sshll.u32 s28, $0x1;
	[dreg:$0x2] =	wrdreg s3  }
0xaf: {  	[dreg:$0x3] =	wrdreg s5  }
0xb0: {  	[dreg:$0x4] =	wrdreg $0xC0  }
0xb1: {  	_ =	task [dreg:s7], $0x5FFFF  }
0xb2: {  	[dreg:$0x1] =	wrdreg $0xFFFFFFFF  }
0xb3: {  	[dreg:$0x0] =	wrdreg $0x60  }
0xb4: {  	[dreg:$0x2] =	wrdreg s24  }
0xb5: {  	[dreg:$0x3] =	wrdreg s16  }
0xb6: {  	[dreg:$0x4] =	wrdreg $0x9  }
0xb7: {  	_ =	task.clear_ibuf [dreg:s7], $0x5FFFF;
	_ =	strace $0x90000046  }
0xb8: {  	s29 =	simm.s32 $0x9;
	_ =	strace $0x80000048  }
0xb9: {  	_ =	swait.ge [sflag:s29], $0x1  }
0xba: {  	[sflag:s29] =	ssyncadd.s32 $0xFFFFFFFF  }
0xbb: {  	_ =	strace $0x90000048  }
0xbc: {  	_ =	sfence  }
0xbd: {  	s30 =	sld [smem:$0x0];
	_ =	sdelay $0x2  }
0xbe: {  	s31 =	sshll.u32 s1, $0xD;
	s1 =	sshrl.u32 s1, $0x2  }
0xbf: {  	s3 =	sand.u32 $0x4000, s31;
	s1 =	sadd.s32 s1, s30  }
0xc0: {  	s0 =	sor.u32 s3, s0;
	s1 =	sshll.u32 s1, $0x11  }
0xc1: {  	s0 =	sor.u32 s1, s0  }
0xc2: {  	s0 =	sadd.s32 $0x8F2B, s0  }
0xc3: {  	[sflag:s0] =	ssyncadd.remote.s32 $0x1  }
0xc4: {  	_ =	sfence.sel $0xFFFF  }
0xc5: {  	[dreg:$0x0] =	wrdreg $0xFFFFFFFF;
	(pc) =	sbr.abs _section_cstart, $3  }
0xc6: {  	[dreg:$0x1] =	wrdreg $0xFFFFFFFF  }
0xc7: {  	_ =	task.clear_ibuf [dreg:s7], $0x2FFFF;
	_ =	strace $0x9FFFFFFF  }
0xc8: {  	(tm) =	ssettm $0x7FFFFFFF  }
0xc9: {  	_ =	shalt  }
tec
execute0_lowered:
.L_overlay_start_1:
0x0: {  	(tag) =	ssettag $0x1  }
0x1: {  	s1 =	srdreg.scid;
	s3 =	rddreg [dreg:$0x0]  }
0x2: {  	s0 =	stileid.u32;
	s22 =	rddreg [dreg:$0x1];
	s28 =	simm.s32 $0x7000  }
0x3: {  	s29 =	simm.s32 $0x1;
	s1 =	sand.u32 $0x1, s1;
	s2 =	sshll.u32 s0, $0x1  }
0x4: {  	s30 =	simm.s32 $0x2;
	s31 =	simm.s32 $0xE000;
	s20 =	sor.u32 s1, s2  }
0x5: {  	s5 =	sadd.s32 $0x600, s3;
	s2 =	simm.s32 $0x0;
	s4 =	smul.u32 $0x1C000, s20  }
0x6: {  	s1 =	ssub.s32 $0x2, s1;
	[smem:$0x7FF] =	sst s2;
	s6 =	smul.u32 $0xE0000, s20  }
0x7: {  	s23 =	sshrl.u32 s1, $0x1;
	_ =	strace $0x80000047;
	s3 =	sadd.s32 s5, s4  }
0x8: {  	s1 =	ssub.s32 s1, s23;
	s23 =	sshll.u32 s20, $0x4;
	s4 =	sadd.s32 $0xE00, s3  }
0x9: {  	s6 =	sshrl.u32 s6, $0x3;
	s14 =	sadd.s32 $0x1C00, s3;
	[dreg:$0x3] =	wrdreg s4  }
0xa: {  	s22 =	sadd.s32 s22, s23;
	s15 =	sadd.s32 $0x2A00, s3;
	[dreg:$0x4] =	wrdreg s14  }
0xb: {  	s16 =	sadd.s32 $0x3800, s3;
	s25 =	sadd.s32 s5, s6;
	[dreg:$0x5] =	wrdreg s15  }
0xc: {  	[dreg:$0x6] =	wrdreg s16;
	s17 =	sadd.s32 $0x4600, s25;
	s18 =	sadd.s32 $0x5400, s25  }
0xd: {  	s19 =	sadd.s32 $0x6200, s25;
	s21 =	sadd.s32 $0x7000, s25;
	s24 =	sadd.s32 $0x7E00, s25  }
0xe: {  	s26 =	sadd.s32 $0x8C00, s25;
	s4 =	sadd.s32 $0x9A00, s25;
	s5 =	sadd.s32 $0xA800, s25  }
0xf: {  	s6 =	sadd.s32 $0xB600, s25;
	s7 =	sadd.s32 $0xC400, s25;
	s8 =	sadd.s32 $0xD200, s25  }
0x10: {  	s9 =	sadd.s32 $0xE000, s25;
	s10 =	sadd.s32 $0xEE00, s25;
	[dreg:$0x7] =	wrdreg s17  }
0x11: {  	s11 =	sadd.s32 $0xFC00, s25;
	s12 =	sadd.s32 $0x10A00, s25;
	[dreg:$0x8] =	wrdreg s18  }
0x12: {  	s13 =	sadd.s32 $0x11800, s25;
	s14 =	sadd.s32 $0x12600, s25;
	[dreg:$0x9] =	wrdreg s19  }
0x13: {  	s15 =	sadd.s32 $0x13400, s25;
	s16 =	sadd.s32 $0x14200, s25;
	[dreg:$0xa] =	wrdreg s21  }
0x14: {  	s20 =	sadd.s32 $0x17A00, s25;
	s23 =	sadd.s32 $0x19600, s25;
	[dreg:$0xb] =	wrdreg s24  }
0x15: {  	[dreg:$0xc] =	wrdreg s26;
	s17 =	sadd.s32 $0x15000, s25;
	s18 =	sadd.s32 $0x15E00, s25  }
0x16: {  	s19 =	sadd.s32 $0x16C00, s25;
	s21 =	sadd.s32 $0x18800, s25;
	s24 =	sadd.s32 $0x1A400, s25  }
0x17: {  	s25 =	sadd.s32 $0x1B200, s25;
	s26 =	smax.u32 s1, $0x1;
	s1 =	simm.s32 $0x3  }
.LBB2_1:
0x18: {  	[tilespmem:s2], [sflag:$0x1] =	stream.linear.gather [hbm4b:s3+s2], $0x7000, $0x38;
	[tilespmem:$0xE080] =	vst v63  }
0x19: {  	s0 =	rddreg [dreg:$0x3]  }
0x1a: {  	[tilespmem:s28], [sflag:$0x2] =	stream.linear.gather [hbm4b:s0+s2], $0x7000, $0x38;
	[tilespmem:$0xE080] =	vst v63  }
0x1b: {  	_ =	swait.ge [sflag:s29], $0x7000  }
0x1c: {  	[sflag:s29] =	ssyncset.done $0x0  }
0x1d: {  	s0 =	rddreg [dreg:$0x4];
	[sflag:s29] =	ssyncadd.s32 $0xFFFF9000  }
0x1e: {  	v0 =	vld [tilespmem:$0x0];
	[tilespmem:s2], [sflag:$0x1] =	stream.linear.gather [hbm4b:s0+s2], $0x7000, $0x38  }
0x1f: {  	_ =	swait.ge [sflag:s30], $0x7000  }
0x20: {  	[sflag:s30] =	ssyncset.done $0x0  }
0x21: {  	s0 =	rddreg [dreg:$0x5];
	[sflag:s30] =	ssyncadd.s32 $0xFFFF9000  }
0x22: {  	v1 =	vld [tilespmem:$0x7000];
	[tilespmem:s28], [sflag:$0x2] =	stream.linear.gather [hbm4b:s0+s2], $0x7000, $0x38  }
0x23: {  	_ =	swait.ge [sflag:s29], $0x7000  }
0x24: {  	[sflag:s29] =	ssyncset.done $0x0  }
0x25: {  	s0 =	rddreg [dreg:$0x6];
	[sflag:s29] =	ssyncadd.s32 $0xFFFF9000  }
0x26: {  	v2 =	vld [tilespmem:$0x0];
	[tilespmem:s2], [sflag:$0x1] =	stream.linear.gather [hbm4b:s0+s2], $0x7000, $0x38  }
0x27: {  	_ =	swait.ge [sflag:s30], $0x7000  }
0x28: {  	[sflag:s30] =	ssyncset.done $0x0  }
0x29: {  	s0 =	rddreg [dreg:$0x7];
	[sflag:s30] =	ssyncadd.s32 $0xFFFF9000  }
0x2a: {  	v3 =	vld [tilespmem:$0x7000];
	[tilespmem:s28], [sflag:$0x2] =	stream.linear.gather [hbm4b:s0+s2], $0x7000, $0x38  }
0x2b: {  	_ =	swait.ge [sflag:s29], $0x7000  }
0x2c: {  	[sflag:s29] =	ssyncset.done $0x0  }
0x2d: {  	s0 =	rddreg [dreg:$0x8];
	[sflag:s29] =	ssyncadd.s32 $0xFFFF9000  }
0x2e: {  	v4 =	vld [tilespmem:$0x0];
	[tilespmem:s2], [sflag:$0x1] =	stream.linear.gather [hbm4b:s0+s2], $0x7000, $0x38  }
0x2f: {  	_ =	swait.ge [sflag:s30], $0x7000  }
0x30: {  	[sflag:s30] =	ssyncset.done $0x0  }
0x31: {  	s0 =	rddreg [dreg:$0x9];
	[sflag:s30] =	ssyncadd.s32 $0xFFFF9000  }
0x32: {  	v5 =	vld [tilespmem:$0x7000];
	[tilespmem:s28], [sflag:$0x2] =	stream.linear.gather [hbm4b:s0+s2], $0x7000, $0x38  }
0x33: {  	_ =	swait.ge [sflag:s29], $0x7000  }
0x34: {  	[sflag:s29] =	ssyncset.done $0x0  }
0x35: {  	s0 =	rddreg [dreg:$0xa];
	[sflag:s29] =	ssyncadd.s32 $0xFFFF9000  }
0x36: {  	v6 =	vld [tilespmem:$0x0];
	[tilespmem:s2], [sflag:$0x1] =	stream.linear.gather [hbm4b:s0+s2], $0x7000, $0x38  }
0x37: {  	_ =	swait.ge [sflag:s30], $0x7000  }
0x38: {  	[sflag:s30] =	ssyncset.done $0x0  }
0x39: {  	s0 =	rddreg [dreg:$0xb];
	[sflag:s30] =	ssyncadd.s32 $0xFFFF9000  }
0x3a: {  	v7 =	vld [tilespmem:$0x7000];
	[tilespmem:s28], [sflag:$0x2] =	stream.linear.gather [hbm4b:s0+s2], $0x7000, $0x38  }
0x3b: {  	_ =	swait.ge [sflag:s29], $0x7000  }
0x3c: {  	[sflag:s29] =	ssyncset.done $0x0  }
0x3d: {  	s0 =	rddreg [dreg:$0xc];
	[sflag:s29] =	ssyncadd.s32 $0xFFFF9000  }
0x3e: {  	v8 =	vld [tilespmem:$0x0];
	[tilespmem:s2], [sflag:$0x1] =	stream.linear.gather [hbm4b:s0+s2], $0x7000, $0x38  }
0x3f: {  	_ =	swait.ge [sflag:s30], $0x7000  }
0x40: {  	[sflag:s30] =	ssyncset.done $0x0  }
0x41: {  	[sflag:s30] =	ssyncadd.s32 $0xFFFF9000  }
0x42: {  	v9 =	vld [tilespmem:$0x7000];
	[tilespmem:s28], [sflag:$0x2] =	stream.linear.gather [hbm4b:s4+s2], $0x7000, $0x38  }
0x43: {  	_ =	swait.ge [sflag:s29], $0x7000  }
0x44: {  	[sflag:s29] =	ssyncset.done $0x0  }
0x45: {  	[sflag:s29] =	ssyncadd.s32 $0xFFFF9000  }
0x46: {  	v10 =	vld [tilespmem:$0x0];
	[tilespmem:s2], [sflag:$0x1] =	stream.linear.gather [hbm4b:s5+s2], $0x7000, $0x38  }
0x47: {  	_ =	swait.ge [sflag:s30], $0x7000  }
0x48: {  	[sflag:s30] =	ssyncset.done $0x0  }
0x49: {  	[sflag:s30] =	ssyncadd.s32 $0xFFFF9000  }
0x4a: {  	v11 =	vld [tilespmem:$0x7000];
	[tilespmem:s28], [sflag:$0x2] =	stream.linear.gather [hbm4b:s6+s2], $0x7000, $0x38  }
0x4b: {  	_ =	swait.ge [sflag:s29], $0x7000  }
0x4c: {  	[sflag:s29] =	ssyncset.done $0x0  }
0x4d: {  	[sflag:s29] =	ssyncadd.s32 $0xFFFF9000  }
0x4e: {  	v12 =	vld [tilespmem:$0x0];
	[tilespmem:s2], [sflag:$0x1] =	stream.linear.gather [hbm4b:s7+s2], $0x7000, $0x38  }
0x4f: {  	_ =	swait.ge [sflag:s30], $0x7000  }
0x50: {  	[sflag:s30] =	ssyncset.done $0x0  }
0x51: {  	[sflag:s30] =	ssyncadd.s32 $0xFFFF9000  }
0x52: {  	v13 =	vld [tilespmem:$0x7000];
	[tilespmem:s28], [sflag:$0x2] =	stream.linear.gather [hbm4b:s8+s2], $0x7000, $0x38  }
0x53: {  	_ =	swait.ge [sflag:s29], $0x7000  }
0x54: {  	[sflag:s29] =	ssyncset.done $0x0  }
0x55: {  	[sflag:s29] =	ssyncadd.s32 $0xFFFF9000  }
0x56: {  	v14 =	vld [tilespmem:$0x0];
	[tilespmem:s2], [sflag:$0x1] =	stream.linear.gather [hbm4b:s9+s2], $0x7000, $0x38  }
0x57: {  	_ =	swait.ge [sflag:s30], $0x7000  }
0x58: {  	[sflag:s30] =	ssyncset.done $0x0  }
0x59: {  	[sflag:s30] =	ssyncadd.s32 $0xFFFF9000  }
0x5a: {  	v15 =	vld [tilespmem:$0x7000];
	[tilespmem:s28], [sflag:$0x2] =	stream.linear.gather [hbm4b:s10+s2], $0x7000, $0x38  }
0x5b: {  	_ =	swait.ge [sflag:s29], $0x7000  }
0x5c: {  	[sflag:s29] =	ssyncset.done $0x0  }
0x5d: {  	[sflag:s29] =	ssyncadd.s32 $0xFFFF9000  }
0x5e: {  	v16 =	vld [tilespmem:$0x0];
	[tilespmem:s2], [sflag:$0x1] =	stream.linear.gather [hbm4b:s11+s2], $0x7000, $0x38  }
0x5f: {  	_ =	swait.ge [sflag:s30], $0x7000  }
0x60: {  	v0 =	vadd.f32 $0.0e+00, v0;
	[sflag:s30] =	ssyncset.done $0x0  }
0x61: {  	[sflag:s30] =	ssyncadd.s32 $0xFFFF9000  }
0x62: {  	v0 =	vadd.f32 v1, v0;
	v17 =	vld [tilespmem:$0x7000];
	[tilespmem:s28], [sflag:$0x2] =	stream.linear.gather [hbm4b:s12+s2], $0x7000, $0x38  }
0x63: {  	_ =	swait.ge [sflag:s29], $0x7000  }
0x64: {  	v0 =	vadd.f32 v2, v0;
	[sflag:s29] =	ssyncset.done $0x0  }
0x65: {  	[sflag:s29] =	ssyncadd.s32 $0xFFFF9000  }
0x66: {  	v0 =	vadd.f32 v3, v0;
	v18 =	vld [tilespmem:$0x0];
	[tilespmem:s2], [sflag:$0x1] =	stream.linear.gather [hbm4b:s13+s2], $0x7000, $0x38  }
0x67: {  	_ =	swait.ge [sflag:s30], $0x7000  }
0x68: {  	v0 =	vadd.f32 v4, v0;
	[sflag:s30] =	ssyncset.done $0x0  }
0x69: {  	[sflag:s30] =	ssyncadd.s32 $0xFFFF9000  }
0x6a: {  	v0 =	vadd.f32 v5, v0;
	v19 =	vld [tilespmem:$0x7000];
	[tilespmem:s28], [sflag:$0x2] =	stream.linear.gather [hbm4b:s14+s2], $0x7000, $0x38  }
0x6b: {  	_ =	swait.ge [sflag:s29], $0x7000  }
0x6c: {  	v0 =	vadd.f32 v6, v0;
	[sflag:s29] =	ssyncset.done $0x0  }
0x6d: {  	[sflag:s29] =	ssyncadd.s32 $0xFFFF9000  }
0x6e: {  	v0 =	vadd.f32 v7, v0;
	v52 =	vld [tilespmem:$0x0];
	[tilespmem:s2], [sflag:$0x1] =	stream.linear.gather [hbm4b:s15+s2], $0x7000, $0x38  }
0x6f: {  	_ =	swait.ge [sflag:s30], $0x7000  }
0x70: {  	v0 =	vadd.f32 v8, v0;
	[sflag:s30] =	ssyncset.done $0x0  }
0x71: {  	[sflag:s30] =	ssyncadd.s32 $0xFFFF9000  }
0x72: {  	v0 =	vadd.f32 v9, v0;
	v53 =	vld [tilespmem:$0x7000];
	[tilespmem:s28], [sflag:$0x2] =	stream.linear.gather [hbm4b:s16+s2], $0x7000, $0x38  }
0x73: {  	_ =	swait.ge [sflag:s29], $0x7000  }
0x74: {  	v0 =	vadd.f32 v10, v0;
	[sflag:s29] =	ssyncset.done $0x0  }
0x75: {  	[sflag:s29] =	ssyncadd.s32 $0xFFFF9000  }
0x76: {  	v0 =	vadd.f32 v11, v0;
	v54 =	vld [tilespmem:$0x0];
	[tilespmem:s2], [sflag:$0x1] =	stream.linear.gather [hbm4b:s17+s2], $0x7000, $0x38  }
0x77: {  	_ =	swait.ge [sflag:s30], $0x7000  }
0x78: {  	v0 =	vadd.f32 v12, v0;
	[sflag:s30] =	ssyncset.done $0x0  }
0x79: {  	[sflag:s30] =	ssyncadd.s32 $0xFFFF9000  }
0x7a: {  	v0 =	vadd.f32 v13, v0;
	v55 =	vld [tilespmem:$0x7000];
	[tilespmem:s28], [sflag:$0x2] =	stream.linear.gather [hbm4b:s18+s2], $0x7000, $0x38  }
0x7b: {  	_ =	swait.ge [sflag:s29], $0x7000  }
0x7c: {  	v0 =	vadd.f32 v14, v0;
	[sflag:s29] =	ssyncset.done $0x0  }
0x7d: {  	[sflag:s29] =	ssyncadd.s32 $0xFFFF9000  }
0x7e: {  	v0 =	vadd.f32 v15, v0;
	v56 =	vld [tilespmem:$0x0];
	[tilespmem:s2], [sflag:$0x1] =	stream.linear.gather [hbm4b:s19+s2], $0x7000, $0x38  }
0x7f: {  	_ =	swait.ge [sflag:s30], $0x7000  }
0x80: {  	v0 =	vadd.f32 v16, v0;
	[sflag:s30] =	ssyncset.done $0x0  }
0x81: {  	[sflag:s30] =	ssyncadd.s32 $0xFFFF9000  }
0x82: {  	v0 =	vadd.f32 v17, v0;
	v57 =	vld [tilespmem:$0x7000];
	[tilespmem:s28], [sflag:$0x2] =	stream.linear.gather [hbm4b:s20+s2], $0x7000, $0x38  }
0x83: {  	_ =	swait.ge [sflag:s29], $0x7000  }
0x84: {  	v0 =	vadd.f32 v18, v0;
	[sflag:s29] =	ssyncset.done $0x0  }
0x85: {  	[sflag:s29] =	ssyncadd.s32 $0xFFFF9000  }
0x86: {  	v0 =	vadd.f32 v19, v0;
	v58 =	vld [tilespmem:$0x0];
	[tilespmem:s2], [sflag:$0x1] =	stream.linear.gather [hbm4b:s21+s2], $0x7000, $0x38  }
0x87: {  	_ =	swait.ge [sflag:s30], $0x7000  }
0x88: {  	v0 =	vadd.f32 v52, v0;
	[sflag:s30] =	ssyncset.done $0x0  }
0x89: {  	[sflag:s30] =	ssyncadd.s32 $0xFFFF9000  }
0x8a: {  	v0 =	vadd.f32 v53, v0;
	v59 =	vld [tilespmem:$0x7000];
	[tilespmem:s28], [sflag:$0x2] =	stream.linear.gather [hbm4b:s23+s2], $0x7000, $0x38  }
0x8b: {  	_ =	swait.ge [sflag:s29], $0x7000  }
0x8c: {  	v0 =	vadd.f32 v54, v0;
	[sflag:s29] =	ssyncset.done $0x0  }
0x8d: {  	[sflag:s29] =	ssyncadd.s32 $0xFFFF9000  }
0x8e: {  	v0 =	vadd.f32 v55, v0;
	v60 =	vld [tilespmem:$0x0];
	[tilespmem:s2], [sflag:$0x1] =	stream.linear.gather [hbm4b:s24+s2], $0x7000, $0x38  }
0x8f: {  	_ =	swait.ge [sflag:s30], $0x7000  }
0x90: {  	v0 =	vadd.f32 v56, v0;
	[sflag:s30] =	ssyncset.done $0x0  }
0x91: {  	[sflag:s30] =	ssyncadd.s32 $0xFFFF9000  }
0x92: {  	v0 =	vadd.f32 v57, v0;
	v61 =	vld [tilespmem:$0x7000];
	[tilespmem:s28], [sflag:$0x2] =	stream.linear.gather [hbm4b:s25+s2], $0x7000, $0x38  }
0x93: {  	_ =	swait.ge [sflag:s29], $0x7000  }
0x94: {  	v0 =	vadd.f32 v58, v0;
	[sflag:s29] =	ssyncset.done $0x0  }
0x95: {  	[sflag:s29] =	ssyncadd.s32 $0xFFFF9000  }
0x96: {  	v0 =	vadd.f32 v59, v0;
	v62 =	vld [tilespmem:$0x0];
	_ =	swait.ge [sflag:s30], $0x7000  }
0x97: {  	[sflag:s30] =	ssyncset.done $0x0  }
0x98: {  	v0 =	vadd.f32 v60, v0;
	[sflag:s30] =	ssyncadd.s32 $0xFFFF9000  }
0x99: {  	v63 =	vld [tilespmem:$0x7000]  }
0x9a: {  	v0 =	vadd.f32 v61, v0;
	_ =	sdelay $0x1  }
0x9b: {  	v0 =	vadd.f32 v62, v0;
	_ =	sdelay $0x1  }
0x9c: {  	v0 =	vadd.f32 v63, v0  }
0x9d: {  	p0 =	sne.s32 s26, $0x1  }
.Ltmp0:
0x9e: {  	[tilespmem:$0xE000] =	vst v0;
	(pc) =	sbr.rel @p0 .LBB2_1-.Ltmp0, $4  }
0x9f: {  	[hbm4b:s22+s2] =	stream.linear.scatter [tilespmem:s31], [sflag:$0x3], $0x80, $0x38;
	[tilespmem:$0xE080] =	vst v63  }
0xa0: {  	_ =	swait.ge [sflag:s1], $0x80  }
0xa1: {  	[sflag:s1] =	ssyncset.done $0x0  }
0xa2: {  	s26 =	sadd.s32 $0xFFFFFFFF, s26;
	[sflag:s1] =	ssyncadd.s32 $0xFFFFFF80  }
0xa3: {  	_ =	sfence.sel $0x180000  }
0xa4: {  	[bflag:$0x0] =	sbarrier.arrive $0xFFFF  }
0xa5: {  	_ =	strace $0x90000047  }
0xa6: {  	s0 =	stileid.u32;
	[bflag:$0x2] =	sbarrier.arrive $0xFFFF  }
0xa7: {  	p0 =	sne.s32 s0, $0x0;
	s0 =	rddreg [dreg:$0x2]  }
0xa8: {  	s0 =	sadd.s32 @!p0 $0x100000, s0  }
0xa9: {  	[sflag:s0] =	ssyncadd.tile.s32 @!p0 $0x1;
	_ =	shalt  }
.Lfunc_end2:
_tile_overlayer_lowered:
.L_overlay_start_2:
0xaa: {  	(tag) =	ssettag $0x2  }
0xab: {  	s0 =	rddreg [dreg:$0x0];
	s2 =	stileid.u32  }
0xac: {  	s1 =	rddreg [dreg:$0x1];
	p0 =	sne.s32 s2, $0x0  }
0xad: {  	s3 =	rddreg [dreg:$0x2];
	[bflag:$0x3] =	sbarrier.arrive $0xFFFF;
	s2 =	simm.s32 @!p0 $0x1C03  }
0xae: {  	[timem:s3], [sflag:s2] =	dma.local @!p0 [hbm:s0], s1  }
0xaf: {  	s0 =	simm.s32 @!p0 $0x3  }
0xb0: {  	_ =	swait.ge @!p0 [sflag:s0], s1  }
0xb1: {  	s1 =	ssub.s32 @!p0 $0x0, s1;
	[sflag:s0] =	ssyncset.done @!p0 $0x0  }
0xb2: {  	[sflag:s0] =	ssyncadd.s32 @!p0 s1  }
0xb3: {  	[bflag:$0x3] =	sbarrier.arrive $0xFFFF  }
0xb4: {  	_ =	shalt  }

</sc_bundles>
